<compile_context>
chip_gen: v7x
topology: tpu7x:2x2x1
jax: 0.10.2.dev20260603
libtpu: 0.0.44.dev20260713+nightly
codegen_flags: <defaults>
</compile_context>

<pallas_src>
import functools

import jax
import jax.numpy as jnp
from jax import lax
from jax.experimental import pallas as pl
from jax.experimental.pallas import tpu as pltpu
from jax.experimental.pallas import tpu_sc as plsc

EMB_DIM = 128
GRP = 128
NBUF = 6
ODEPTH = 3


@functools.partial(jax.jit, static_argnums=(2, 3))
def _sc_gather(weight, idx2d, n_groups, n_workers):
    groups_per_w = n_groups // n_workers
    n_iter = groups_per_w
    gahead = NBUF - ODEPTH
    mesh = plsc.VectorSubcoreMesh(core_axis_name="c", subcore_axis_name="s")
    nc = mesh.num_cores

    @functools.partial(
        pl.kernel,
        out_type=jax.ShapeDtypeStruct((n_groups, GRP, EMB_DIM), jnp.float32),
        mesh=mesh,
        scratch_types=[
            pltpu.VMEM((groups_per_w, GRP), jnp.int32),
            pltpu.VMEM((NBUF, GRP, EMB_DIM), jnp.float32),
        ]
        + [pltpu.SemaphoreType.DMA] * (2 * NBUF),
    )
    def k(table_hbm, idx_hbm, out_hbm, idx_v, rows_v, *sems):
        gsem = sems[:NBUF]
        osem = sems[NBUF:]
        wid = lax.axis_index("s") * nc + lax.axis_index("c")
        w_base = wid * groups_per_w

        def fire_gather(chunk, slot):
            pltpu.async_copy(
                table_hbm.at[idx_v.at[chunk]], rows_v.at[slot], gsem[slot]
            )

        def drain(slot, sem):
            pltpu.make_async_copy(
                table_hbm.at[idx_v.at[0]], rows_v.at[slot], sem
            ).wait()

        pltpu.sync_copy(idx_hbm.at[pl.ds(w_base, groups_per_w)], idx_v)
        for c in range(gahead):
            fire_gather(c, c)

        def body(i, carry):
            p = lax.rem(i, NBUF)
            for slot in range(NBUF):

                @pl.when(p == slot)
                def _():
                    drain(slot, gsem[slot])
                    pltpu.async_copy(
                        rows_v.at[slot],
                        out_hbm.at[w_base + i],
                        osem[slot],
                    )
                    prev = (slot - ODEPTH) % NBUF

                    @pl.when(i >= ODEPTH)
                    def _():
                        drain(prev, osem[prev])

                    @pl.when(i + gahead < n_iter)
                    def _():
                        fire_gather(i + gahead, prev)

            return carry

        lax.fori_loop(0, n_iter, body, 0)
        for j in range(ODEPTH):
            slot = (n_iter - ODEPTH + j) % NBUF
            drain(slot, osem[slot])

    return k(weight, idx2d)


def kernel(input, weight):
    b, s = input.shape
    n = b * s
    idx2d = input.T.reshape(n // GRP, GRP).astype(jnp.int32)
    out = _sc_gather(weight, idx2d, n // GRP, 32)
    return out.reshape(s, b, EMB_DIM).transpose(1, 0, 2)

# --- scband reference (transcript-rebuilt; emitter-appended) ---
"""Pipeline reference for scband-embedding-72121090834824 (READ-ONLY COPY).

The authoritative reference and input builder live on the scoring server;
editing this copy changes nothing except your own understanding.
"""

import jax, jax.numpy as jnp
import numpy as np

NUM_EMBEDDINGS = 100000
EMBEDDING_DIM = 128

def setup_inputs(seed: int = 0) -> dict:
    key = jax.random.key(seed)
    k_idx, k_w = jax.random.split(key)
    input_ids = jax.random.randint(k_idx, (16384, 50), 0, NUM_EMBEDDINGS, dtype=jnp.int64 if jax.config.jax_enable_x64 else jnp.int32)
    # xavier_normal init: std = sqrt(2 / (fan_in + fan_out))
    std = float(np.sqrt(2.0 / (NUM_EMBEDDINGS + EMBEDDING_DIM)))
    weight = jax.random.normal(k_w, (NUM_EMBEDDINGS, EMBEDDING_DIM), dtype=jnp.float32) * std
    return {"input": input_ids, "weight": weight}

def reference(input, weight):
    # F.embedding with padding_idx=None, max_norm=None -> plain gather
    return jnp.take(weight, input, axis=0)

if __name__ == "__main__":
    import jax
    _d = setup_inputs()
    print(jax.jit(kernel)(*tuple(_d.values())))

</pallas_src>

<mosaic_0001>
#map = affine_map<(d0, d1) -> (0, 0)>
#map1 = affine_map<(d0, d1) -> (0, 0, 0)>
module attributes {stable_mosaic.version = 14 : i64} {
  func.func @k(%arg0: i32, %arg1: i32, %arg2: memref<100000x128xf32, #tpu.memory_space<hbm>>, %arg3: memref<6400x128xi32, #tpu.memory_space<hbm>>, %arg4: memref<6400x128x128xf32, #tpu.memory_space<hbm>>, %arg5: memref<200x128xi32, #tpu.memory_space<vmem>>, %arg6: memref<6x128x128xf32, #tpu.memory_space<vmem>>, %arg7: memref<!tpu.dma_semaphore, #tpu.memory_space<semaphore_mem>>, %arg8: memref<!tpu.dma_semaphore, #tpu.memory_space<semaphore_mem>>, %arg9: memref<!tpu.dma_semaphore, #tpu.memory_space<semaphore_mem>>, %arg10: memref<!tpu.dma_semaphore, #tpu.memory_space<semaphore_mem>>, %arg11: memref<!tpu.dma_semaphore, #tpu.memory_space<semaphore_mem>>, %arg12: memref<!tpu.dma_semaphore, #tpu.memory_space<semaphore_mem>>, %arg13: memref<!tpu.dma_semaphore, #tpu.memory_space<semaphore_mem>>, %arg14: memref<!tpu.dma_semaphore, #tpu.memory_space<semaphore_mem>>, %arg15: memref<!tpu.dma_semaphore, #tpu.memory_space<semaphore_mem>>, %arg16: memref<!tpu.dma_semaphore, #tpu.memory_space<semaphore_mem>>, %arg17: memref<!tpu.dma_semaphore, #tpu.memory_space<semaphore_mem>>, %arg18: memref<!tpu.dma_semaphore, #tpu.memory_space<semaphore_mem>>) attributes {dimension_semantics = [#tpu.dimension_semantics<core_parallel>, #tpu.dimension_semantics<subcore_parallel>], iteration_bounds = array<i64: 2, 16>, scalar_prefetch = 0 : i64, scratch_operands = 14 : i64, tpu.core_type = #tpu.core_type<sc_vector_subcore>, window_params = [{transform_indices = #map}, {transform_indices = #map}, {transform_indices = #map1}]} {
    %mul3A = arith.constant 2 : i32
    %mul3A_0 = arith.muli %arg1, %mul3A : i32
    %add3A = arith.addi %mul3A_0, %arg0 : i32
    %mul3A_1 = arith.constant 200 : i32
    %mul3A_2 = arith.muli %add3A, %mul3A_1 : i32
    "tpu.region"() ({
      %run_scoped3A = tpu.sem_alloc : memref<!tpu.dma_semaphore, #tpu.memory_space<semaphore_mem>>
      %dma_start3A_78 = arith.constant 0 : i32
      %dma_start3A_79 = tpu.memref_slice %arg3[%mul3A_2, %dma_start3A_78] : memref<6400x128xi32, #tpu.memory_space<hbm>> -> memref<200x128xi32, #tpu.memory_space<hbm>>
      %dma_start3A_80 = arith.constant 0 : i32
      %dma_start3A_81 = tpu.memref_slice %arg3[%mul3A_2, %dma_start3A_80] : memref<6400x128xi32, #tpu.memory_space<hbm>> -> memref<200x128xi32, #tpu.memory_space<hbm>>
      tpu.enqueue_dma source(%dma_start3A_81 : memref<200x128xi32, #tpu.memory_space<hbm>>) target(%arg5 : memref<200x128xi32, #tpu.memory_space<vmem>>) target_semaphore(%run_scoped3A : memref<!tpu.dma_semaphore, #tpu.memory_space<semaphore_mem>>)
      %dma_wait3A_82 = arith.constant 0 : i32
      %dma_wait3A_83 = tpu.memref_slice %arg3[%mul3A_2, %dma_wait3A_82] : memref<6400x128xi32, #tpu.memory_space<hbm>> -> memref<200x128xi32, #tpu.memory_space<hbm>>
      %dma_wait3A_84 = arith.constant 0 : i32
      %dma_wait3A_85 = tpu.memref_slice %arg3[%mul3A_2, %dma_wait3A_84] : memref<6400x128xi32, #tpu.memory_space<hbm>> -> memref<200x128xi32, #tpu.memory_space<hbm>>
      tpu.wait_dma2 semaphore(%run_scoped3A : memref<!tpu.dma_semaphore, #tpu.memory_space<semaphore_mem>>) src(%dma_wait3A_85 : memref<200x128xi32, #tpu.memory_space<hbm>>) dst(%arg5 : memref<200x128xi32, #tpu.memory_space<vmem>>)
      tpu.yield
    }) : () -> ()
    %dma_start3A = arith.constant 0 : i32
    %dma_start3A_3 = arith.constant 0 : i32
    %dma_start3A_4 = arith.constant 0 : i32
    %dma_start3A_5 = arith.constant 0 : i32
    %dma_start3A_6 = tpu.memref_slice %arg6[%dma_start3A_3, %dma_start3A_4, %dma_start3A_5] : memref<6x128x128xf32, #tpu.memory_space<vmem>> -> memref<1x128x128xf32, #tpu.memory_space<vmem>>
    %dma_start3A_7 = tpu.memref_squeeze %dma_start3A_6 : memref<1x128x128xf32, #tpu.memory_space<vmem>> -> memref<128x128xf32, #tpu.memory_space<vmem>>
    %dma_start3A_8 = arith.constant 0 : i32
    %dma_start3A_9 = tpu.memref_slice %arg5[%dma_start3A, %dma_start3A_8] : memref<200x128xi32, #tpu.memory_space<vmem>> -> memref<1x128xi32, #tpu.memory_space<vmem>>
    %dma_start3A_10 = tpu.memref_squeeze %dma_start3A_9 : memref<1x128xi32, #tpu.memory_space<vmem>> -> memref<128xi32, #tpu.memory_space<vmem>>
    %dma_start3A_11 = arith.constant 0 : i32
    %dma_start3A_12 = arith.constant 0 : i32
    %dma_start3A_13 = tpu.memref_slice %arg2[%dma_start3A_11, %dma_start3A_12] : memref<100000x128xf32, #tpu.memory_space<hbm>> -> memref<100000x128xf32, #tpu.memory_space<hbm>>
    tpu.enqueue_indirect_dma source(%dma_start3A_13 : memref<100000x128xf32, #tpu.memory_space<hbm>>) target(%dma_start3A_7 : memref<128x128xf32, #tpu.memory_space<vmem>>) offsets(%dma_start3A_10 : memref<128xi32, #tpu.memory_space<vmem>>) semaphore(%arg7 : memref<!tpu.dma_semaphore, #tpu.memory_space<semaphore_mem>>)
    %dma_start3A_14 = arith.constant 1 : i32
    %dma_start3A_15 = arith.constant 1 : i32
    %dma_start3A_16 = arith.constant 0 : i32
    %dma_start3A_17 = arith.constant 0 : i32
    %dma_start3A_18 = tpu.memref_slice %arg6[%dma_start3A_15, %dma_start3A_16, %dma_start3A_17] : memref<6x128x128xf32, #tpu.memory_space<vmem>> -> memref<1x128x128xf32, #tpu.memory_space<vmem>>
    %dma_start3A_19 = tpu.memref_squeeze %dma_start3A_18 : memref<1x128x128xf32, #tpu.memory_space<vmem>> -> memref<128x128xf32, #tpu.memory_space<vmem>>
    %dma_start3A_20 = arith.constant 0 : i32
    %dma_start3A_21 = tpu.memref_slice %arg5[%dma_start3A_14, %dma_start3A_20] : memref<200x128xi32, #tpu.memory_space<vmem>> -> memref<1x128xi32, #tpu.memory_space<vmem>>
    %dma_start3A_22 = tpu.memref_squeeze %dma_start3A_21 : memref<1x128xi32, #tpu.memory_space<vmem>> -> memref<128xi32, #tpu.memory_space<vmem>>
    %dma_start3A_23 = arith.constant 0 : i32
    %dma_start3A_24 = arith.constant 0 : i32
    %dma_start3A_25 = tpu.memref_slice %arg2[%dma_start3A_23, %dma_start3A_24] : memref<100000x128xf32, #tpu.memory_space<hbm>> -> memref<100000x128xf32, #tpu.memory_space<hbm>>
    tpu.enqueue_indirect_dma source(%dma_start3A_25 : memref<100000x128xf32, #tpu.memory_space<hbm>>) target(%dma_start3A_19 : memref<128x128xf32, #tpu.memory_space<vmem>>) offsets(%dma_start3A_22 : memref<128xi32, #tpu.memory_space<vmem>>) semaphore(%arg8 : memref<!tpu.dma_semaphore, #tpu.memory_space<semaphore_mem>>)
    %dma_start3A_26 = arith.constant 2 : i32
    %dma_start3A_27 = arith.constant 2 : i32
    %dma_start3A_28 = arith.constant 0 : i32
    %dma_start3A_29 = arith.constant 0 : i32
    %dma_start3A_30 = tpu.memref_slice %arg6[%dma_start3A_27, %dma_start3A_28, %dma_start3A_29] : memref<6x128x128xf32, #tpu.memory_space<vmem>> -> memref<1x128x128xf32, #tpu.memory_space<vmem>>
    %dma_start3A_31 = tpu.memref_squeeze %dma_start3A_30 : memref<1x128x128xf32, #tpu.memory_space<vmem>> -> memref<128x128xf32, #tpu.memory_space<vmem>>
    %dma_start3A_32 = arith.constant 0 : i32
    %dma_start3A_33 = tpu.memref_slice %arg5[%dma_start3A_26, %dma_start3A_32] : memref<200x128xi32, #tpu.memory_space<vmem>> -> memref<1x128xi32, #tpu.memory_space<vmem>>
    %dma_start3A_34 = tpu.memref_squeeze %dma_start3A_33 : memref<1x128xi32, #tpu.memory_space<vmem>> -> memref<128xi32, #tpu.memory_space<vmem>>
    %dma_start3A_35 = arith.constant 0 : i32
    %dma_start3A_36 = arith.constant 0 : i32
    %dma_start3A_37 = tpu.memref_slice %arg2[%dma_start3A_35, %dma_start3A_36] : memref<100000x128xf32, #tpu.memory_space<hbm>> -> memref<100000x128xf32, #tpu.memory_space<hbm>>
    tpu.enqueue_indirect_dma source(%dma_start3A_37 : memref<100000x128xf32, #tpu.memory_space<hbm>>) target(%dma_start3A_31 : memref<128x128xf32, #tpu.memory_space<vmem>>) offsets(%dma_start3A_34 : memref<128xi32, #tpu.memory_space<vmem>>) semaphore(%arg9 : memref<!tpu.dma_semaphore, #tpu.memory_space<semaphore_mem>>)
    %scan3A = arith.constant 0 : i32
    %scan3A_38 = arith.constant 0 : i32
    %scan3A_39 = arith.constant 200 : i32
    %scan3A_40 = arith.addi %scan3A_38, %scan3A_39 : i32
    %scan3A_41 = arith.constant 1 : i32
    scf.for %scan3A_78 = %scan3A_38 to %scan3A_40 step %scan3A_41  : i32 {
      %rem3A = arith.constant 6 : i32
      %rem3A_79 = arith.remsi %scan3A_78, %rem3A : i32
      %eq3A = arith.constant 0 : i32
      %eq3A_80 = arith.cmpi eq, %rem3A_79, %eq3A : i32
      %convert_element_type3A = arith.extui %eq3A_80 : i1 to i32
      %cond3A = arith.constant 0 : i32
      %cond3A_81 = arith.cmpi ne, %convert_element_type3A, %cond3A : i32
      scf.if %cond3A_81 {
        %dma_wait3A_107 = arith.constant 0 : i32
        %dma_wait3A_108 = arith.constant 0 : i32
        %dma_wait3A_109 = arith.constant 0 : i32
        %dma_wait3A_110 = arith.constant 0 : i32
        %dma_wait3A_111 = tpu.memref_slice %arg6[%dma_wait3A_108, %dma_wait3A_109, %dma_wait3A_110] : memref<6x128x128xf32, #tpu.memory_space<vmem>> -> memref<1x128x128xf32, #tpu.memory_space<vmem>>
        %dma_wait3A_112 = tpu.memref_squeeze %dma_wait3A_111 : memref<1x128x128xf32, #tpu.memory_space<vmem>> -> memref<128x128xf32, #tpu.memory_space<vmem>>
        %dma_wait3A_113 = arith.constant 0 : i32
        %dma_wait3A_114 = tpu.memref_slice %arg5[%dma_wait3A_107, %dma_wait3A_113] : memref<200x128xi32, #tpu.memory_space<vmem>> -> memref<1x128xi32, #tpu.memory_space<vmem>>
        %dma_wait3A_115 = tpu.memref_squeeze %dma_wait3A_114 : memref<1x128xi32, #tpu.memory_space<vmem>> -> memref<128xi32, #tpu.memory_space<vmem>>
        %dma_wait3A_116 = arith.constant 0 : i32
        %dma_wait3A_117 = arith.constant 0 : i32
        %dma_wait3A_118 = tpu.memref_slice %arg2[%dma_wait3A_116, %dma_wait3A_117] : memref<100000x128xf32, #tpu.memory_space<hbm>> -> memref<100000x128xf32, #tpu.memory_space<hbm>>
        tpu.wait_indirect_dma semaphore(%arg7 : memref<!tpu.dma_semaphore, #tpu.memory_space<semaphore_mem>>) src(%dma_wait3A_118 : memref<100000x128xf32, #tpu.memory_space<hbm>>) dst(%dma_wait3A_112 : memref<128x128xf32, #tpu.memory_space<vmem>>)
        %add3A_119 = arith.addi %mul3A_2, %scan3A_78 : i32
        %dma_start3A_120 = arith.constant 0 : i32
        %dma_start3A_121 = arith.constant 0 : i32
        %dma_start3A_122 = arith.constant 0 : i32
        %dma_start3A_123 = tpu.memref_slice %arg6[%dma_start3A_120, %dma_start3A_121, %dma_start3A_122] : memref<6x128x128xf32, #tpu.memory_space<vmem>> -> memref<1x128x128xf32, #tpu.memory_space<vmem>>
        %dma_start3A_124 = tpu.memref_squeeze %dma_start3A_123 : memref<1x128x128xf32, #tpu.memory_space<vmem>> -> memref<128x128xf32, #tpu.memory_space<vmem>>
        %dma_start3A_125 = arith.constant 0 : i32
        %dma_start3A_126 = arith.constant 0 : i32
        %dma_start3A_127 = tpu.memref_slice %arg4[%add3A_119, %dma_start3A_125, %dma_start3A_126] : memref<6400x128x128xf32, #tpu.memory_space<hbm>> -> memref<1x128x128xf32, #tpu.memory_space<hbm>>
        %dma_start3A_128 = tpu.memref_squeeze %dma_start3A_127 : memref<1x128x128xf32, #tpu.memory_space<hbm>> -> memref<128x128xf32, #tpu.memory_space<hbm>>
        %dma_start3A_129 = arith.constant 0 : i32
        %dma_start3A_130 = arith.constant 0 : i32
        %dma_start3A_131 = tpu.memref_slice %arg4[%add3A_119, %dma_start3A_129, %dma_start3A_130] : memref<6400x128x128xf32, #tpu.memory_space<hbm>> -> memref<1x128x128xf32, #tpu.memory_space<hbm>>
        %dma_start3A_132 = tpu.memref_squeeze %dma_start3A_131 : memref<1x128x128xf32, #tpu.memory_space<hbm>> -> memref<128x128xf32, #tpu.memory_space<hbm>>
        %dma_start3A_133 = arith.constant 0 : i32
        %dma_start3A_134 = arith.constant 0 : i32
        %dma_start3A_135 = tpu.memref_slice %arg6[%dma_start3A_120, %dma_start3A_133, %dma_start3A_134] : memref<6x128x128xf32, #tpu.memory_space<vmem>> -> memref<1x128x128xf32, #tpu.memory_space<vmem>>
        %dma_start3A_136 = tpu.memref_squeeze %dma_start3A_135 : memref<1x128x128xf32, #tpu.memory_space<vmem>> -> memref<128x128xf32, #tpu.memory_space<vmem>>
        tpu.enqueue_dma source(%dma_start3A_136 : memref<128x128xf32, #tpu.memory_space<vmem>>) target(%dma_start3A_132 : memref<128x128xf32, #tpu.memory_space<hbm>>) target_semaphore(%arg13 : memref<!tpu.dma_semaphore, #tpu.memory_space<semaphore_mem>>)
        %ge3A = arith.constant 3 : i32
        %ge3A_137 = arith.cmpi sge, %scan3A_78, %ge3A : i32
        %convert_element_type3A_138 = arith.extui %ge3A_137 : i1 to i32
        %cond3A_139 = arith.constant 0 : i32
        %cond3A_140 = arith.cmpi ne, %convert_element_type3A_138, %cond3A_139 : i32
        scf.if %cond3A_140 {
          %dma_wait3A_147 = arith.constant 0 : i32
          %dma_wait3A_148 = arith.constant 3 : i32
          %dma_wait3A_149 = arith.constant 0 : i32
          %dma_wait3A_150 = arith.constant 0 : i32
          %dma_wait3A_151 = tpu.memref_slice %arg6[%dma_wait3A_148, %dma_wait3A_149, %dma_wait3A_150] : memref<6x128x128xf32, #tpu.memory_space<vmem>> -> memref<1x128x128xf32, #tpu.memory_space<vmem>>
          %dma_wait3A_152 = tpu.memref_squeeze %dma_wait3A_151 : memref<1x128x128xf32, #tpu.memory_space<vmem>> -> memref<128x128xf32, #tpu.memory_space<vmem>>
          %dma_wait3A_153 = arith.constant 0 : i32
          %dma_wait3A_154 = tpu.memref_slice %arg5[%dma_wait3A_147, %dma_wait3A_153] : memref<200x128xi32, #tpu.memory_space<vmem>> -> memref<1x128xi32, #tpu.memory_space<vmem>>
          %dma_wait3A_155 = tpu.memref_squeeze %dma_wait3A_154 : memref<1x128xi32, #tpu.memory_space<vmem>> -> memref<128xi32, #tpu.memory_space<vmem>>
          %dma_wait3A_156 = arith.constant 0 : i32
          %dma_wait3A_157 = arith.constant 0 : i32
          %dma_wait3A_158 = tpu.memref_slice %arg2[%dma_wait3A_156, %dma_wait3A_157] : memref<100000x128xf32, #tpu.memory_space<hbm>> -> memref<100000x128xf32, #tpu.memory_space<hbm>>
          tpu.wait_indirect_dma semaphore(%arg16 : memref<!tpu.dma_semaphore, #tpu.memory_space<semaphore_mem>>) src(%dma_wait3A_158 : memref<100000x128xf32, #tpu.memory_space<hbm>>) dst(%dma_wait3A_152 : memref<128x128xf32, #tpu.memory_space<vmem>>)
        } else {
        }
        %add3A_141 = arith.constant 3 : i32
        %add3A_142 = arith.addi %scan3A_78, %add3A_141 : i32
        %lt3A = arith.constant 200 : i32
        %lt3A_143 = arith.cmpi slt, %add3A_142, %lt3A : i32
        %convert_element_type3A_144 = arith.extui %lt3A_143 : i1 to i32
        %cond3A_145 = arith.constant 0 : i32
        %cond3A_146 = arith.cmpi ne, %convert_element_type3A_144, %cond3A_145 : i32
        scf.if %cond3A_146 {
          %add3A_147 = arith.constant 3 : i32
          %add3A_148 = arith.addi %scan3A_78, %add3A_147 : i32
          %dma_start3A_149 = arith.constant 3 : i32
          %dma_start3A_150 = arith.constant 0 : i32
          %dma_start3A_151 = arith.constant 0 : i32
          %dma_start3A_152 = tpu.memref_slice %arg6[%dma_start3A_149, %dma_start3A_150, %dma_start3A_151] : memref<6x128x128xf32, #tpu.memory_space<vmem>> -> memref<1x128x128xf32, #tpu.memory_space<vmem>>
          %dma_start3A_153 = tpu.memref_squeeze %dma_start3A_152 : memref<1x128x128xf32, #tpu.memory_space<vmem>> -> memref<128x128xf32, #tpu.memory_space<vmem>>
          %dma_start3A_154 = arith.constant 0 : i32
          %dma_start3A_155 = tpu.memref_slice %arg5[%add3A_148, %dma_start3A_154] : memref<200x128xi32, #tpu.memory_space<vmem>> -> memref<1x128xi32, #tpu.memory_space<vmem>>
          %dma_start3A_156 = tpu.memref_squeeze %dma_start3A_155 : memref<1x128xi32, #tpu.memory_space<vmem>> -> memref<128xi32, #tpu.memory_space<vmem>>
          %dma_start3A_157 = arith.constant 0 : i32
          %dma_start3A_158 = arith.constant 0 : i32
          %dma_start3A_159 = tpu.memref_slice %arg2[%dma_start3A_157, %dma_start3A_158] : memref<100000x128xf32, #tpu.memory_space<hbm>> -> memref<100000x128xf32, #tpu.memory_space<hbm>>
          tpu.enqueue_indirect_dma source(%dma_start3A_159 : memref<100000x128xf32, #tpu.memory_space<hbm>>) target(%dma_start3A_153 : memref<128x128xf32, #tpu.memory_space<vmem>>) offsets(%dma_start3A_156 : memref<128xi32, #tpu.memory_space<vmem>>) semaphore(%arg10 : memref<!tpu.dma_semaphore, #tpu.memory_space<semaphore_mem>>)
        } else {
        }
      } else {
      }
      %eq3A_82 = arith.constant 1 : i32
      %eq3A_83 = arith.cmpi eq, %rem3A_79, %eq3A_82 : i32
      %convert_element_type3A_84 = arith.extui %eq3A_83 : i1 to i32
      %cond3A_85 = arith.constant 0 : i32
      %cond3A_86 = arith.cmpi ne, %convert_element_type3A_84, %cond3A_85 : i32
      scf.if %cond3A_86 {
        %dma_wait3A_107 = arith.constant 0 : i32
        %dma_wait3A_108 = arith.constant 1 : i32
        %dma_wait3A_109 = arith.constant 0 : i32
        %dma_wait3A_110 = arith.constant 0 : i32
        %dma_wait3A_111 = tpu.memref_slice %arg6[%dma_wait3A_108, %dma_wait3A_109, %dma_wait3A_110] : memref<6x128x128xf32, #tpu.memory_space<vmem>> -> memref<1x128x128xf32, #tpu.memory_space<vmem>>
        %dma_wait3A_112 = tpu.memref_squeeze %dma_wait3A_111 : memref<1x128x128xf32, #tpu.memory_space<vmem>> -> memref<128x128xf32, #tpu.memory_space<vmem>>
        %dma_wait3A_113 = arith.constant 0 : i32
        %dma_wait3A_114 = tpu.memref_slice %arg5[%dma_wait3A_107, %dma_wait3A_113] : memref<200x128xi32, #tpu.memory_space<vmem>> -> memref<1x128xi32, #tpu.memory_space<vmem>>
        %dma_wait3A_115 = tpu.memref_squeeze %dma_wait3A_114 : memref<1x128xi32, #tpu.memory_space<vmem>> -> memref<128xi32, #tpu.memory_space<vmem>>
        %dma_wait3A_116 = arith.constant 0 : i32
        %dma_wait3A_117 = arith.constant 0 : i32
        %dma_wait3A_118 = tpu.memref_slice %arg2[%dma_wait3A_116, %dma_wait3A_117] : memref<100000x128xf32, #tpu.memory_space<hbm>> -> memref<100000x128xf32, #tpu.memory_space<hbm>>
        tpu.wait_indirect_dma semaphore(%arg8 : memref<!tpu.dma_semaphore, #tpu.memory_space<semaphore_mem>>) src(%dma_wait3A_118 : memref<100000x128xf32, #tpu.memory_space<hbm>>) dst(%dma_wait3A_112 : memref<128x128xf32, #tpu.memory_space<vmem>>)
        %add3A_119 = arith.addi %mul3A_2, %scan3A_78 : i32
        %dma_start3A_120 = arith.constant 1 : i32
        %dma_start3A_121 = arith.constant 0 : i32
        %dma_start3A_122 = arith.constant 0 : i32
        %dma_start3A_123 = tpu.memref_slice %arg6[%dma_start3A_120, %dma_start3A_121, %dma_start3A_122] : memref<6x128x128xf32, #tpu.memory_space<vmem>> -> memref<1x128x128xf32, #tpu.memory_space<vmem>>
        %dma_start3A_124 = tpu.memref_squeeze %dma_start3A_123 : memref<1x128x128xf32, #tpu.memory_space<vmem>> -> memref<128x128xf32, #tpu.memory_space<vmem>>
        %dma_start3A_125 = arith.constant 0 : i32
        %dma_start3A_126 = arith.constant 0 : i32
        %dma_start3A_127 = tpu.memref_slice %arg4[%add3A_119, %dma_start3A_125, %dma_start3A_126] : memref<6400x128x128xf32, #tpu.memory_space<hbm>> -> memref<1x128x128xf32, #tpu.memory_space<hbm>>
        %dma_start3A_128 = tpu.memref_squeeze %dma_start3A_127 : memref<1x128x128xf32, #tpu.memory_space<hbm>> -> memref<128x128xf32, #tpu.memory_space<hbm>>
        %dma_start3A_129 = arith.constant 0 : i32
        %dma_start3A_130 = arith.constant 0 : i32
        %dma_start3A_131 = tpu.memref_slice %arg4[%add3A_119, %dma_start3A_129, %dma_start3A_130] : memref<6400x128x128xf32, #tpu.memory_space<hbm>> -> memref<1x128x128xf32, #tpu.memory_space<hbm>>
        %dma_start3A_132 = tpu.memref_squeeze %dma_start3A_131 : memref<1x128x128xf32, #tpu.memory_space<hbm>> -> memref<128x128xf32, #tpu.memory_space<hbm>>
        %dma_start3A_133 = arith.constant 0 : i32
        %dma_start3A_134 = arith.constant 0 : i32
        %dma_start3A_135 = tpu.memref_slice %arg6[%dma_start3A_120, %dma_start3A_133, %dma_start3A_134] : memref<6x128x128xf32, #tpu.memory_space<vmem>> -> memref<1x128x128xf32, #tpu.memory_space<vmem>>
        %dma_start3A_136 = tpu.memref_squeeze %dma_start3A_135 : memref<1x128x128xf32, #tpu.memory_space<vmem>> -> memref<128x128xf32, #tpu.memory_space<vmem>>
        tpu.enqueue_dma source(%dma_start3A_136 : memref<128x128xf32, #tpu.memory_space<vmem>>) target(%dma_start3A_132 : memref<128x128xf32, #tpu.memory_space<hbm>>) target_semaphore(%arg14 : memref<!tpu.dma_semaphore, #tpu.memory_space<semaphore_mem>>)
        %ge3A = arith.constant 3 : i32
        %ge3A_137 = arith.cmpi sge, %scan3A_78, %ge3A : i32
        %convert_element_type3A_138 = arith.extui %ge3A_137 : i1 to i32
        %cond3A_139 = arith.constant 0 : i32
        %cond3A_140 = arith.cmpi ne, %convert_element_type3A_138, %cond3A_139 : i32
        scf.if %cond3A_140 {
          %dma_wait3A_147 = arith.constant 0 : i32
          %dma_wait3A_148 = arith.constant 4 : i32
          %dma_wait3A_149 = arith.constant 0 : i32
          %dma_wait3A_150 = arith.constant 0 : i32
          %dma_wait3A_151 = tpu.memref_slice %arg6[%dma_wait3A_148, %dma_wait3A_149, %dma_wait3A_150] : memref<6x128x128xf32, #tpu.memory_space<vmem>> -> memref<1x128x128xf32, #tpu.memory_space<vmem>>
          %dma_wait3A_152 = tpu.memref_squeeze %dma_wait3A_151 : memref<1x128x128xf32, #tpu.memory_space<vmem>> -> memref<128x128xf32, #tpu.memory_space<vmem>>
          %dma_wait3A_153 = arith.constant 0 : i32
          %dma_wait3A_154 = tpu.memref_slice %arg5[%dma_wait3A_147, %dma_wait3A_153] : memref<200x128xi32, #tpu.memory_space<vmem>> -> memref<1x128xi32, #tpu.memory_space<vmem>>
          %dma_wait3A_155 = tpu.memref_squeeze %dma_wait3A_154 : memref<1x128xi32, #tpu.memory_space<vmem>> -> memref<128xi32, #tpu.memory_space<vmem>>
          %dma_wait3A_156 = arith.constant 0 : i32
          %dma_wait3A_157 = arith.constant 0 : i32
          %dma_wait3A_158 = tpu.memref_slice %arg2[%dma_wait3A_156, %dma_wait3A_157] : memref<100000x128xf32, #tpu.memory_space<hbm>> -> memref<100000x128xf32, #tpu.memory_space<hbm>>
          tpu.wait_indirect_dma semaphore(%arg17 : memref<!tpu.dma_semaphore, #tpu.memory_space<semaphore_mem>>) src(%dma_wait3A_158 : memref<100000x128xf32, #tpu.memory_space<hbm>>) dst(%dma_wait3A_152 : memref<128x128xf32, #tpu.memory_space<vmem>>)
        } else {
        }
        %add3A_141 = arith.constant 3 : i32
        %add3A_142 = arith.addi %scan3A_78, %add3A_141 : i32
        %lt3A = arith.constant 200 : i32
        %lt3A_143 = arith.cmpi slt, %add3A_142, %lt3A : i32
        %convert_element_type3A_144 = arith.extui %lt3A_143 : i1 to i32
        %cond3A_145 = arith.constant 0 : i32
        %cond3A_146 = arith.cmpi ne, %convert_element_type3A_144, %cond3A_145 : i32
        scf.if %cond3A_146 {
          %add3A_147 = arith.constant 3 : i32
          %add3A_148 = arith.addi %scan3A_78, %add3A_147 : i32
          %dma_start3A_149 = arith.constant 4 : i32
          %dma_start3A_150 = arith.constant 0 : i32
          %dma_start3A_151 = arith.constant 0 : i32
          %dma_start3A_152 = tpu.memref_slice %arg6[%dma_start3A_149, %dma_start3A_150, %dma_start3A_151] : memref<6x128x128xf32, #tpu.memory_space<vmem>> -> memref<1x128x128xf32, #tpu.memory_space<vmem>>
          %dma_start3A_153 = tpu.memref_squeeze %dma_start3A_152 : memref<1x128x128xf32, #tpu.memory_space<vmem>> -> memref<128x128xf32, #tpu.memory_space<vmem>>
          %dma_start3A_154 = arith.constant 0 : i32
          %dma_start3A_155 = tpu.memref_slice %arg5[%add3A_148, %dma_start3A_154] : memref<200x128xi32, #tpu.memory_space<vmem>> -> memref<1x128xi32, #tpu.memory_space<vmem>>
          %dma_start3A_156 = tpu.memref_squeeze %dma_start3A_155 : memref<1x128xi32, #tpu.memory_space<vmem>> -> memref<128xi32, #tpu.memory_space<vmem>>
          %dma_start3A_157 = arith.constant 0 : i32
          %dma_start3A_158 = arith.constant 0 : i32
          %dma_start3A_159 = tpu.memref_slice %arg2[%dma_start3A_157, %dma_start3A_158] : memref<100000x128xf32, #tpu.memory_space<hbm>> -> memref<100000x128xf32, #tpu.memory_space<hbm>>
          tpu.enqueue_indirect_dma source(%dma_start3A_159 : memref<100000x128xf32, #tpu.memory_space<hbm>>) target(%dma_start3A_153 : memref<128x128xf32, #tpu.memory_space<vmem>>) offsets(%dma_start3A_156 : memref<128xi32, #tpu.memory_space<vmem>>) semaphore(%arg11 : memref<!tpu.dma_semaphore, #tpu.memory_space<semaphore_mem>>)
        } else {
        }
      } else {
      }
      %eq3A_87 = arith.constant 2 : i32
      %eq3A_88 = arith.cmpi eq, %rem3A_79, %eq3A_87 : i32
      %convert_element_type3A_89 = arith.extui %eq3A_88 : i1 to i32
      %cond3A_90 = arith.constant 0 : i32
      %cond3A_91 = arith.cmpi ne, %convert_element_type3A_89, %cond3A_90 : i32
      scf.if %cond3A_91 {
        %dma_wait3A_107 = arith.constant 0 : i32
        %dma_wait3A_108 = arith.constant 2 : i32
        %dma_wait3A_109 = arith.constant 0 : i32
        %dma_wait3A_110 = arith.constant 0 : i32
        %dma_wait3A_111 = tpu.memref_slice %arg6[%dma_wait3A_108, %dma_wait3A_109, %dma_wait3A_110] : memref<6x128x128xf32, #tpu.memory_space<vmem>> -> memref<1x128x128xf32, #tpu.memory_space<vmem>>
        %dma_wait3A_112 = tpu.memref_squeeze %dma_wait3A_111 : memref<1x128x128xf32, #tpu.memory_space<vmem>> -> memref<128x128xf32, #tpu.memory_space<vmem>>
        %dma_wait3A_113 = arith.constant 0 : i32
        %dma_wait3A_114 = tpu.memref_slice %arg5[%dma_wait3A_107, %dma_wait3A_113] : memref<200x128xi32, #tpu.memory_space<vmem>> -> memref<1x128xi32, #tpu.memory_space<vmem>>
        %dma_wait3A_115 = tpu.memref_squeeze %dma_wait3A_114 : memref<1x128xi32, #tpu.memory_space<vmem>> -> memref<128xi32, #tpu.memory_space<vmem>>
        %dma_wait3A_116 = arith.constant 0 : i32
        %dma_wait3A_117 = arith.constant 0 : i32
        %dma_wait3A_118 = tpu.memref_slice %arg2[%dma_wait3A_116, %dma_wait3A_117] : memref<100000x128xf32, #tpu.memory_space<hbm>> -> memref<100000x128xf32, #tpu.memory_space<hbm>>
        tpu.wait_indirect_dma semaphore(%arg9 : memref<!tpu.dma_semaphore, #tpu.memory_space<semaphore_mem>>) src(%dma_wait3A_118 : memref<100000x128xf32, #tpu.memory_space<hbm>>) dst(%dma_wait3A_112 : memref<128x128xf32, #tpu.memory_space<vmem>>)
        %add3A_119 = arith.addi %mul3A_2, %scan3A_78 : i32
        %dma_start3A_120 = arith.constant 2 : i32
        %dma_start3A_121 = arith.constant 0 : i32
        %dma_start3A_122 = arith.constant 0 : i32
        %dma_start3A_123 = tpu.memref_slice %arg6[%dma_start3A_120, %dma_start3A_121, %dma_start3A_122] : memref<6x128x128xf32, #tpu.memory_space<vmem>> -> memref<1x128x128xf32, #tpu.memory_space<vmem>>
        %dma_start3A_124 = tpu.memref_squeeze %dma_start3A_123 : memref<1x128x128xf32, #tpu.memory_space<vmem>> -> memref<128x128xf32, #tpu.memory_space<vmem>>
        %dma_start3A_125 = arith.constant 0 : i32
        %dma_start3A_126 = arith.constant 0 : i32
        %dma_start3A_127 = tpu.memref_slice %arg4[%add3A_119, %dma_start3A_125, %dma_start3A_126] : memref<6400x128x128xf32, #tpu.memory_space<hbm>> -> memref<1x128x128xf32, #tpu.memory_space<hbm>>
        %dma_start3A_128 = tpu.memref_squeeze %dma_start3A_127 : memref<1x128x128xf32, #tpu.memory_space<hbm>> -> memref<128x128xf32, #tpu.memory_space<hbm>>
        %dma_start3A_129 = arith.constant 0 : i32
        %dma_start3A_130 = arith.constant 0 : i32
        %dma_start3A_131 = tpu.memref_slice %arg4[%add3A_119, %dma_start3A_129, %dma_start3A_130] : memref<6400x128x128xf32, #tpu.memory_space<hbm>> -> memref<1x128x128xf32, #tpu.memory_space<hbm>>
        %dma_start3A_132 = tpu.memref_squeeze %dma_start3A_131 : memref<1x128x128xf32, #tpu.memory_space<hbm>> -> memref<128x128xf32, #tpu.memory_space<hbm>>
        %dma_start3A_133 = arith.constant 0 : i32
        %dma_start3A_134 = arith.constant 0 : i32
        %dma_start3A_135 = tpu.memref_slice %arg6[%dma_start3A_120, %dma_start3A_133, %dma_start3A_134] : memref<6x128x128xf32, #tpu.memory_space<vmem>> -> memref<1x128x128xf32, #tpu.memory_space<vmem>>
        %dma_start3A_136 = tpu.memref_squeeze %dma_start3A_135 : memref<1x128x128xf32, #tpu.memory_space<vmem>> -> memref<128x128xf32, #tpu.memory_space<vmem>>
        tpu.enqueue_dma source(%dma_start3A_136 : memref<128x128xf32, #tpu.memory_space<vmem>>) target(%dma_start3A_132 : memref<128x128xf32, #tpu.memory_space<hbm>>) target_semaphore(%arg15 : memref<!tpu.dma_semaphore, #tpu.memory_space<semaphore_mem>>)
        %ge3A = arith.constant 3 : i32
        %ge3A_137 = arith.cmpi sge, %scan3A_78, %ge3A : i32
        %convert_element_type3A_138 = arith.extui %ge3A_137 : i1 to i32
        %cond3A_139 = arith.constant 0 : i32
        %cond3A_140 = arith.cmpi ne, %convert_element_type3A_138, %cond3A_139 : i32
        scf.if %cond3A_140 {
          %dma_wait3A_147 = arith.constant 0 : i32
          %dma_wait3A_148 = arith.constant 5 : i32
          %dma_wait3A_149 = arith.constant 0 : i32
          %dma_wait3A_150 = arith.constant 0 : i32
          %dma_wait3A_151 = tpu.memref_slice %arg6[%dma_wait3A_148, %dma_wait3A_149, %dma_wait3A_150] : memref<6x128x128xf32, #tpu.memory_space<vmem>> -> memref<1x128x128xf32, #tpu.memory_space<vmem>>
          %dma_wait3A_152 = tpu.memref_squeeze %dma_wait3A_151 : memref<1x128x128xf32, #tpu.memory_space<vmem>> -> memref<128x128xf32, #tpu.memory_space<vmem>>
          %dma_wait3A_153 = arith.constant 0 : i32
          %dma_wait3A_154 = tpu.memref_slice %arg5[%dma_wait3A_147, %dma_wait3A_153] : memref<200x128xi32, #tpu.memory_space<vmem>> -> memref<1x128xi32, #tpu.memory_space<vmem>>
          %dma_wait3A_155 = tpu.memref_squeeze %dma_wait3A_154 : memref<1x128xi32, #tpu.memory_space<vmem>> -> memref<128xi32, #tpu.memory_space<vmem>>
          %dma_wait3A_156 = arith.constant 0 : i32
          %dma_wait3A_157 = arith.constant 0 : i32
          %dma_wait3A_158 = tpu.memref_slice %arg2[%dma_wait3A_156, %dma_wait3A_157] : memref<100000x128xf32, #tpu.memory_space<hbm>> -> memref<100000x128xf32, #tpu.memory_space<hbm>>
          tpu.wait_indirect_dma semaphore(%arg18 : memref<!tpu.dma_semaphore, #tpu.memory_space<semaphore_mem>>) src(%dma_wait3A_158 : memref<100000x128xf32, #tpu.memory_space<hbm>>) dst(%dma_wait3A_152 : memref<128x128xf32, #tpu.memory_space<vmem>>)
        } else {
        }
        %add3A_141 = arith.constant 3 : i32
        %add3A_142 = arith.addi %scan3A_78, %add3A_141 : i32
        %lt3A = arith.constant 200 : i32
        %lt3A_143 = arith.cmpi slt, %add3A_142, %lt3A : i32
        %convert_element_type3A_144 = arith.extui %lt3A_143 : i1 to i32
        %cond3A_145 = arith.constant 0 : i32
        %cond3A_146 = arith.cmpi ne, %convert_element_type3A_144, %cond3A_145 : i32
        scf.if %cond3A_146 {
          %add3A_147 = arith.constant 3 : i32
          %add3A_148 = arith.addi %scan3A_78, %add3A_147 : i32
          %dma_start3A_149 = arith.constant 5 : i32
          %dma_start3A_150 = arith.constant 0 : i32
          %dma_start3A_151 = arith.constant 0 : i32
          %dma_start3A_152 = tpu.memref_slice %arg6[%dma_start3A_149, %dma_start3A_150, %dma_start3A_151] : memref<6x128x128xf32, #tpu.memory_space<vmem>> -> memref<1x128x128xf32, #tpu.memory_space<vmem>>
          %dma_start3A_153 = tpu.memref_squeeze %dma_start3A_152 : memref<1x128x128xf32, #tpu.memory_space<vmem>> -> memref<128x128xf32, #tpu.memory_space<vmem>>
          %dma_start3A_154 = arith.constant 0 : i32
          %dma_start3A_155 = tpu.memref_slice %arg5[%add3A_148, %dma_start3A_154] : memref<200x128xi32, #tpu.memory_space<vmem>> -> memref<1x128xi32, #tpu.memory_space<vmem>>
          %dma_start3A_156 = tpu.memref_squeeze %dma_start3A_155 : memref<1x128xi32, #tpu.memory_space<vmem>> -> memref<128xi32, #tpu.memory_space<vmem>>
          %dma_start3A_157 = arith.constant 0 : i32
          %dma_start3A_158 = arith.constant 0 : i32
          %dma_start3A_159 = tpu.memref_slice %arg2[%dma_start3A_157, %dma_start3A_158] : memref<100000x128xf32, #tpu.memory_space<hbm>> -> memref<100000x128xf32, #tpu.memory_space<hbm>>
          tpu.enqueue_indirect_dma source(%dma_start3A_159 : memref<100000x128xf32, #tpu.memory_space<hbm>>) target(%dma_start3A_153 : memref<128x128xf32, #tpu.memory_space<vmem>>) offsets(%dma_start3A_156 : memref<128xi32, #tpu.memory_space<vmem>>) semaphore(%arg12 : memref<!tpu.dma_semaphore, #tpu.memory_space<semaphore_mem>>)
        } else {
        }
      } else {
      }
      %eq3A_92 = arith.constant 3 : i32
      %eq3A_93 = arith.cmpi eq, %rem3A_79, %eq3A_92 : i32
      %convert_element_type3A_94 = arith.extui %eq3A_93 : i1 to i32
      %cond3A_95 = arith.constant 0 : i32
      %cond3A_96 = arith.cmpi ne, %convert_element_type3A_94, %cond3A_95 : i32
      scf.if %cond3A_96 {
        %dma_wait3A_107 = arith.constant 0 : i32
        %dma_wait3A_108 = arith.constant 3 : i32
        %dma_wait3A_109 = arith.constant 0 : i32
        %dma_wait3A_110 = arith.constant 0 : i32
        %dma_wait3A_111 = tpu.memref_slice %arg6[%dma_wait3A_108, %dma_wait3A_109, %dma_wait3A_110] : memref<6x128x128xf32, #tpu.memory_space<vmem>> -> memref<1x128x128xf32, #tpu.memory_space<vmem>>
        %dma_wait3A_112 = tpu.memref_squeeze %dma_wait3A_111 : memref<1x128x128xf32, #tpu.memory_space<vmem>> -> memref<128x128xf32, #tpu.memory_space<vmem>>
        %dma_wait3A_113 = arith.constant 0 : i32
        %dma_wait3A_114 = tpu.memref_slice %arg5[%dma_wait3A_107, %dma_wait3A_113] : memref<200x128xi32, #tpu.memory_space<vmem>> -> memref<1x128xi32, #tpu.memory_space<vmem>>
        %dma_wait3A_115 = tpu.memref_squeeze %dma_wait3A_114 : memref<1x128xi32, #tpu.memory_space<vmem>> -> memref<128xi32, #tpu.memory_space<vmem>>
        %dma_wait3A_116 = arith.constant 0 : i32
        %dma_wait3A_117 = arith.constant 0 : i32
        %dma_wait3A_118 = tpu.memref_slice %arg2[%dma_wait3A_116, %dma_wait3A_117] : memref<100000x128xf32, #tpu.memory_space<hbm>> -> memref<100000x128xf32, #tpu.memory_space<hbm>>
        tpu.wait_indirect_dma semaphore(%arg10 : memref<!tpu.dma_semaphore, #tpu.memory_space<semaphore_mem>>) src(%dma_wait3A_118 : memref<100000x128xf32, #tpu.memory_space<hbm>>) dst(%dma_wait3A_112 : memref<128x128xf32, #tpu.memory_space<vmem>>)
        %add3A_119 = arith.addi %mul3A_2, %scan3A_78 : i32
        %dma_start3A_120 = arith.constant 3 : i32
        %dma_start3A_121 = arith.constant 0 : i32
        %dma_start3A_122 = arith.constant 0 : i32
        %dma_start3A_123 = tpu.memref_slice %arg6[%dma_start3A_120, %dma_start3A_121, %dma_start3A_122] : memref<6x128x128xf32, #tpu.memory_space<vmem>> -> memref<1x128x128xf32, #tpu.memory_space<vmem>>
        %dma_start3A_124 = tpu.memref_squeeze %dma_start3A_123 : memref<1x128x128xf32, #tpu.memory_space<vmem>> -> memref<128x128xf32, #tpu.memory_space<vmem>>
        %dma_start3A_125 = arith.constant 0 : i32
        %dma_start3A_126 = arith.constant 0 : i32
        %dma_start3A_127 = tpu.memref_slice %arg4[%add3A_119, %dma_start3A_125, %dma_start3A_126] : memref<6400x128x128xf32, #tpu.memory_space<hbm>> -> memref<1x128x128xf32, #tpu.memory_space<hbm>>
        %dma_start3A_128 = tpu.memref_squeeze %dma_start3A_127 : memref<1x128x128xf32, #tpu.memory_space<hbm>> -> memref<128x128xf32, #tpu.memory_space<hbm>>
        %dma_start3A_129 = arith.constant 0 : i32
        %dma_start3A_130 = arith.constant 0 : i32
        %dma_start3A_131 = tpu.memref_slice %arg4[%add3A_119, %dma_start3A_129, %dma_start3A_130] : memref<6400x128x128xf32, #tpu.memory_space<hbm>> -> memref<1x128x128xf32, #tpu.memory_space<hbm>>
        %dma_start3A_132 = tpu.memref_squeeze %dma_start3A_131 : memref<1x128x128xf32, #tpu.memory_space<hbm>> -> memref<128x128xf32, #tpu.memory_space<hbm>>
        %dma_start3A_133 = arith.constant 0 : i32
        %dma_start3A_134 = arith.constant 0 : i32
        %dma_start3A_135 = tpu.memref_slice %arg6[%dma_start3A_120, %dma_start3A_133, %dma_start3A_134] : memref<6x128x128xf32, #tpu.memory_space<vmem>> -> memref<1x128x128xf32, #tpu.memory_space<vmem>>
        %dma_start3A_136 = tpu.memref_squeeze %dma_start3A_135 : memref<1x128x128xf32, #tpu.memory_space<vmem>> -> memref<128x128xf32, #tpu.memory_space<vmem>>
        tpu.enqueue_dma source(%dma_start3A_136 : memref<128x128xf32, #tpu.memory_space<vmem>>) target(%dma_start3A_132 : memref<128x128xf32, #tpu.memory_space<hbm>>) target_semaphore(%arg16 : memref<!tpu.dma_semaphore, #tpu.memory_space<semaphore_mem>>)
        %ge3A = arith.constant 3 : i32
        %ge3A_137 = arith.cmpi sge, %scan3A_78, %ge3A : i32
        %convert_element_type3A_138 = arith.extui %ge3A_137 : i1 to i32
        %cond3A_139 = arith.constant 0 : i32
        %cond3A_140 = arith.cmpi ne, %convert_element_type3A_138, %cond3A_139 : i32
        scf.if %cond3A_140 {
          %dma_wait3A_147 = arith.constant 0 : i32
          %dma_wait3A_148 = arith.constant 0 : i32
          %dma_wait3A_149 = arith.constant 0 : i32
          %dma_wait3A_150 = arith.constant 0 : i32
          %dma_wait3A_151 = tpu.memref_slice %arg6[%dma_wait3A_148, %dma_wait3A_149, %dma_wait3A_150] : memref<6x128x128xf32, #tpu.memory_space<vmem>> -> memref<1x128x128xf32, #tpu.memory_space<vmem>>
          %dma_wait3A_152 = tpu.memref_squeeze %dma_wait3A_151 : memref<1x128x128xf32, #tpu.memory_space<vmem>> -> memref<128x128xf32, #tpu.memory_space<vmem>>
          %dma_wait3A_153 = arith.constant 0 : i32
          %dma_wait3A_154 = tpu.memref_slice %arg5[%dma_wait3A_147, %dma_wait3A_153] : memref<200x128xi32, #tpu.memory_space<vmem>> -> memref<1x128xi32, #tpu.memory_space<vmem>>
          %dma_wait3A_155 = tpu.memref_squeeze %dma_wait3A_154 : memref<1x128xi32, #tpu.memory_space<vmem>> -> memref<128xi32, #tpu.memory_space<vmem>>
          %dma_wait3A_156 = arith.constant 0 : i32
          %dma_wait3A_157 = arith.constant 0 : i32
          %dma_wait3A_158 = tpu.memref_slice %arg2[%dma_wait3A_156, %dma_wait3A_157] : memref<100000x128xf32, #tpu.memory_space<hbm>> -> memref<100000x128xf32, #tpu.memory_space<hbm>>
          tpu.wait_indirect_dma semaphore(%arg13 : memref<!tpu.dma_semaphore, #tpu.memory_space<semaphore_mem>>) src(%dma_wait3A_158 : memref<100000x128xf32, #tpu.memory_space<hbm>>) dst(%dma_wait3A_152 : memref<128x128xf32, #tpu.memory_space<vmem>>)
        } else {
        }
        %add3A_141 = arith.constant 3 : i32
        %add3A_142 = arith.addi %scan3A_78, %add3A_141 : i32
        %lt3A = arith.constant 200 : i32
        %lt3A_143 = arith.cmpi slt, %add3A_142, %lt3A : i32
        %convert_element_type3A_144 = arith.extui %lt3A_143 : i1 to i32
        %cond3A_145 = arith.constant 0 : i32
        %cond3A_146 = arith.cmpi ne, %convert_element_type3A_144, %cond3A_145 : i32
        scf.if %cond3A_146 {
          %add3A_147 = arith.constant 3 : i32
          %add3A_148 = arith.addi %scan3A_78, %add3A_147 : i32
          %dma_start3A_149 = arith.constant 0 : i32
          %dma_start3A_150 = arith.constant 0 : i32
          %dma_start3A_151 = arith.constant 0 : i32
          %dma_start3A_152 = tpu.memref_slice %arg6[%dma_start3A_149, %dma_start3A_150, %dma_start3A_151] : memref<6x128x128xf32, #tpu.memory_space<vmem>> -> memref<1x128x128xf32, #tpu.memory_space<vmem>>
          %dma_start3A_153 = tpu.memref_squeeze %dma_start3A_152 : memref<1x128x128xf32, #tpu.memory_space<vmem>> -> memref<128x128xf32, #tpu.memory_space<vmem>>
          %dma_start3A_154 = arith.constant 0 : i32
          %dma_start3A_155 = tpu.memref_slice %arg5[%add3A_148, %dma_start3A_154] : memref<200x128xi32, #tpu.memory_space<vmem>> -> memref<1x128xi32, #tpu.memory_space<vmem>>
          %dma_start3A_156 = tpu.memref_squeeze %dma_start3A_155 : memref<1x128xi32, #tpu.memory_space<vmem>> -> memref<128xi32, #tpu.memory_space<vmem>>
          %dma_start3A_157 = arith.constant 0 : i32
          %dma_start3A_158 = arith.constant 0 : i32
          %dma_start3A_159 = tpu.memref_slice %arg2[%dma_start3A_157, %dma_start3A_158] : memref<100000x128xf32, #tpu.memory_space<hbm>> -> memref<100000x128xf32, #tpu.memory_space<hbm>>
          tpu.enqueue_indirect_dma source(%dma_start3A_159 : memref<100000x128xf32, #tpu.memory_space<hbm>>) target(%dma_start3A_153 : memref<128x128xf32, #tpu.memory_space<vmem>>) offsets(%dma_start3A_156 : memref<128xi32, #tpu.memory_space<vmem>>) semaphore(%arg7 : memref<!tpu.dma_semaphore, #tpu.memory_space<semaphore_mem>>)
        } else {
        }
      } else {
      }
      %eq3A_97 = arith.constant 4 : i32
      %eq3A_98 = arith.cmpi eq, %rem3A_79, %eq3A_97 : i32
      %convert_element_type3A_99 = arith.extui %eq3A_98 : i1 to i32
      %cond3A_100 = arith.constant 0 : i32
      %cond3A_101 = arith.cmpi ne, %convert_element_type3A_99, %cond3A_100 : i32
      scf.if %cond3A_101 {
        %dma_wait3A_107 = arith.constant 0 : i32
        %dma_wait3A_108 = arith.constant 4 : i32
        %dma_wait3A_109 = arith.constant 0 : i32
        %dma_wait3A_110 = arith.constant 0 : i32
        %dma_wait3A_111 = tpu.memref_slice %arg6[%dma_wait3A_108, %dma_wait3A_109, %dma_wait3A_110] : memref<6x128x128xf32, #tpu.memory_space<vmem>> -> memref<1x128x128xf32, #tpu.memory_space<vmem>>
        %dma_wait3A_112 = tpu.memref_squeeze %dma_wait3A_111 : memref<1x128x128xf32, #tpu.memory_space<vmem>> -> memref<128x128xf32, #tpu.memory_space<vmem>>
        %dma_wait3A_113 = arith.constant 0 : i32
        %dma_wait3A_114 = tpu.memref_slice %arg5[%dma_wait3A_107, %dma_wait3A_113] : memref<200x128xi32, #tpu.memory_space<vmem>> -> memref<1x128xi32, #tpu.memory_space<vmem>>
        %dma_wait3A_115 = tpu.memref_squeeze %dma_wait3A_114 : memref<1x128xi32, #tpu.memory_space<vmem>> -> memref<128xi32, #tpu.memory_space<vmem>>
        %dma_wait3A_116 = arith.constant 0 : i32
        %dma_wait3A_117 = arith.constant 0 : i32
        %dma_wait3A_118 = tpu.memref_slice %arg2[%dma_wait3A_116, %dma_wait3A_117] : memref<100000x128xf32, #tpu.memory_space<hbm>> -> memref<100000x128xf32, #tpu.memory_space<hbm>>
        tpu.wait_indirect_dma semaphore(%arg11 : memref<!tpu.dma_semaphore, #tpu.memory_space<semaphore_mem>>) src(%dma_wait3A_118 : memref<100000x128xf32, #tpu.memory_space<hbm>>) dst(%dma_wait3A_112 : memref<128x128xf32, #tpu.memory_space<vmem>>)
        %add3A_119 = arith.addi %mul3A_2, %scan3A_78 : i32
        %dma_start3A_120 = arith.constant 4 : i32
        %dma_start3A_121 = arith.constant 0 : i32
        %dma_start3A_122 = arith.constant 0 : i32
        %dma_start3A_123 = tpu.memref_slice %arg6[%dma_start3A_120, %dma_start3A_121, %dma_start3A_122] : memref<6x128x128xf32, #tpu.memory_space<vmem>> -> memref<1x128x128xf32, #tpu.memory_space<vmem>>
        %dma_start3A_124 = tpu.memref_squeeze %dma_start3A_123 : memref<1x128x128xf32, #tpu.memory_space<vmem>> -> memref<128x128xf32, #tpu.memory_space<vmem>>
        %dma_start3A_125 = arith.constant 0 : i32
        %dma_start3A_126 = arith.constant 0 : i32
        %dma_start3A_127 = tpu.memref_slice %arg4[%add3A_119, %dma_start3A_125, %dma_start3A_126] : memref<6400x128x128xf32, #tpu.memory_space<hbm>> -> memref<1x128x128xf32, #tpu.memory_space<hbm>>
        %dma_start3A_128 = tpu.memref_squeeze %dma_start3A_127 : memref<1x128x128xf32, #tpu.memory_space<hbm>> -> memref<128x128xf32, #tpu.memory_space<hbm>>
        %dma_start3A_129 = arith.constant 0 : i32
        %dma_start3A_130 = arith.constant 0 : i32
        %dma_start3A_131 = tpu.memref_slice %arg4[%add3A_119, %dma_start3A_129, %dma_start3A_130] : memref<6400x128x128xf32, #tpu.memory_space<hbm>> -> memref<1x128x128xf32, #tpu.memory_space<hbm>>
        %dma_start3A_132 = tpu.memref_squeeze %dma_start3A_131 : memref<1x128x128xf32, #tpu.memory_space<hbm>> -> memref<128x128xf32, #tpu.memory_space<hbm>>
        %dma_start3A_133 = arith.constant 0 : i32
        %dma_start3A_134 = arith.constant 0 : i32
        %dma_start3A_135 = tpu.memref_slice %arg6[%dma_start3A_120, %dma_start3A_133, %dma_start3A_134] : memref<6x128x128xf32, #tpu.memory_space<vmem>> -> memref<1x128x128xf32, #tpu.memory_space<vmem>>
        %dma_start3A_136 = tpu.memref_squeeze %dma_start3A_135 : memref<1x128x128xf32, #tpu.memory_space<vmem>> -> memref<128x128xf32, #tpu.memory_space<vmem>>
        tpu.enqueue_dma source(%dma_start3A_136 : memref<128x128xf32, #tpu.memory_space<vmem>>) target(%dma_start3A_132 : memref<128x128xf32, #tpu.memory_space<hbm>>) target_semaphore(%arg17 : memref<!tpu.dma_semaphore, #tpu.memory_space<semaphore_mem>>)
        %ge3A = arith.constant 3 : i32
        %ge3A_137 = arith.cmpi sge, %scan3A_78, %ge3A : i32
        %convert_element_type3A_138 = arith.extui %ge3A_137 : i1 to i32
        %cond3A_139 = arith.constant 0 : i32
        %cond3A_140 = arith.cmpi ne, %convert_element_type3A_138, %cond3A_139 : i32
        scf.if %cond3A_140 {
          %dma_wait3A_147 = arith.constant 0 : i32
          %dma_wait3A_148 = arith.constant 1 : i32
          %dma_wait3A_149 = arith.constant 0 : i32
          %dma_wait3A_150 = arith.constant 0 : i32
          %dma_wait3A_151 = tpu.memref_slice %arg6[%dma_wait3A_148, %dma_wait3A_149, %dma_wait3A_150] : memref<6x128x128xf32, #tpu.memory_space<vmem>> -> memref<1x128x128xf32, #tpu.memory_space<vmem>>
          %dma_wait3A_152 = tpu.memref_squeeze %dma_wait3A_151 : memref<1x128x128xf32, #tpu.memory_space<vmem>> -> memref<128x128xf32, #tpu.memory_space<vmem>>
          %dma_wait3A_153 = arith.constant 0 : i32
          %dma_wait3A_154 = tpu.memref_slice %arg5[%dma_wait3A_147, %dma_wait3A_153] : memref<200x128xi32, #tpu.memory_space<vmem>> -> memref<1x128xi32, #tpu.memory_space<vmem>>
          %dma_wait3A_155 = tpu.memref_squeeze %dma_wait3A_154 : memref<1x128xi32, #tpu.memory_space<vmem>> -> memref<128xi32, #tpu.memory_space<vmem>>
          %dma_wait3A_156 = arith.constant 0 : i32
          %dma_wait3A_157 = arith.constant 0 : i32
          %dma_wait3A_158 = tpu.memref_slice %arg2[%dma_wait3A_156, %dma_wait3A_157] : memref<100000x128xf32, #tpu.memory_space<hbm>> -> memref<100000x128xf32, #tpu.memory_space<hbm>>
          tpu.wait_indirect_dma semaphore(%arg14 : memref<!tpu.dma_semaphore, #tpu.memory_space<semaphore_mem>>) src(%dma_wait3A_158 : memref<100000x128xf32, #tpu.memory_space<hbm>>) dst(%dma_wait3A_152 : memref<128x128xf32, #tpu.memory_space<vmem>>)
        } else {
        }
        %add3A_141 = arith.constant 3 : i32
        %add3A_142 = arith.addi %scan3A_78, %add3A_141 : i32
        %lt3A = arith.constant 200 : i32
        %lt3A_143 = arith.cmpi slt, %add3A_142, %lt3A : i32
        %convert_element_type3A_144 = arith.extui %lt3A_143 : i1 to i32
        %cond3A_145 = arith.constant 0 : i32
        %cond3A_146 = arith.cmpi ne, %convert_element_type3A_144, %cond3A_145 : i32
        scf.if %cond3A_146 {
          %add3A_147 = arith.constant 3 : i32
          %add3A_148 = arith.addi %scan3A_78, %add3A_147 : i32
          %dma_start3A_149 = arith.constant 1 : i32
          %dma_start3A_150 = arith.constant 0 : i32
          %dma_start3A_151 = arith.constant 0 : i32
          %dma_start3A_152 = tpu.memref_slice %arg6[%dma_start3A_149, %dma_start3A_150, %dma_start3A_151] : memref<6x128x128xf32, #tpu.memory_space<vmem>> -> memref<1x128x128xf32, #tpu.memory_space<vmem>>
          %dma_start3A_153 = tpu.memref_squeeze %dma_start3A_152 : memref<1x128x128xf32, #tpu.memory_space<vmem>> -> memref<128x128xf32, #tpu.memory_space<vmem>>
          %dma_start3A_154 = arith.constant 0 : i32
          %dma_start3A_155 = tpu.memref_slice %arg5[%add3A_148, %dma_start3A_154] : memref<200x128xi32, #tpu.memory_space<vmem>> -> memref<1x128xi32, #tpu.memory_space<vmem>>
          %dma_start3A_156 = tpu.memref_squeeze %dma_start3A_155 : memref<1x128xi32, #tpu.memory_space<vmem>> -> memref<128xi32, #tpu.memory_space<vmem>>
          %dma_start3A_157 = arith.constant 0 : i32
          %dma_start3A_158 = arith.constant 0 : i32
          %dma_start3A_159 = tpu.memref_slice %arg2[%dma_start3A_157, %dma_start3A_158] : memref<100000x128xf32, #tpu.memory_space<hbm>> -> memref<100000x128xf32, #tpu.memory_space<hbm>>
          tpu.enqueue_indirect_dma source(%dma_start3A_159 : memref<100000x128xf32, #tpu.memory_space<hbm>>) target(%dma_start3A_153 : memref<128x128xf32, #tpu.memory_space<vmem>>) offsets(%dma_start3A_156 : memref<128xi32, #tpu.memory_space<vmem>>) semaphore(%arg8 : memref<!tpu.dma_semaphore, #tpu.memory_space<semaphore_mem>>)
        } else {
        }
      } else {
      }
      %eq3A_102 = arith.constant 5 : i32
      %eq3A_103 = arith.cmpi eq, %rem3A_79, %eq3A_102 : i32
      %convert_element_type3A_104 = arith.extui %eq3A_103 : i1 to i32
      %cond3A_105 = arith.constant 0 : i32
      %cond3A_106 = arith.cmpi ne, %convert_element_type3A_104, %cond3A_105 : i32
      scf.if %cond3A_106 {
        %dma_wait3A_107 = arith.constant 0 : i32
        %dma_wait3A_108 = arith.constant 5 : i32
        %dma_wait3A_109 = arith.constant 0 : i32
        %dma_wait3A_110 = arith.constant 0 : i32
        %dma_wait3A_111 = tpu.memref_slice %arg6[%dma_wait3A_108, %dma_wait3A_109, %dma_wait3A_110] : memref<6x128x128xf32, #tpu.memory_space<vmem>> -> memref<1x128x128xf32, #tpu.memory_space<vmem>>
        %dma_wait3A_112 = tpu.memref_squeeze %dma_wait3A_111 : memref<1x128x128xf32, #tpu.memory_space<vmem>> -> memref<128x128xf32, #tpu.memory_space<vmem>>
        %dma_wait3A_113 = arith.constant 0 : i32
        %dma_wait3A_114 = tpu.memref_slice %arg5[%dma_wait3A_107, %dma_wait3A_113] : memref<200x128xi32, #tpu.memory_space<vmem>> -> memref<1x128xi32, #tpu.memory_space<vmem>>
        %dma_wait3A_115 = tpu.memref_squeeze %dma_wait3A_114 : memref<1x128xi32, #tpu.memory_space<vmem>> -> memref<128xi32, #tpu.memory_space<vmem>>
        %dma_wait3A_116 = arith.constant 0 : i32
        %dma_wait3A_117 = arith.constant 0 : i32
        %dma_wait3A_118 = tpu.memref_slice %arg2[%dma_wait3A_116, %dma_wait3A_117] : memref<100000x128xf32, #tpu.memory_space<hbm>> -> memref<100000x128xf32, #tpu.memory_space<hbm>>
        tpu.wait_indirect_dma semaphore(%arg12 : memref<!tpu.dma_semaphore, #tpu.memory_space<semaphore_mem>>) src(%dma_wait3A_118 : memref<100000x128xf32, #tpu.memory_space<hbm>>) dst(%dma_wait3A_112 : memref<128x128xf32, #tpu.memory_space<vmem>>)
        %add3A_119 = arith.addi %mul3A_2, %scan3A_78 : i32
        %dma_start3A_120 = arith.constant 5 : i32
        %dma_start3A_121 = arith.constant 0 : i32
        %dma_start3A_122 = arith.constant 0 : i32
        %dma_start3A_123 = tpu.memref_slice %arg6[%dma_start3A_120, %dma_start3A_121, %dma_start3A_122] : memref<6x128x128xf32, #tpu.memory_space<vmem>> -> memref<1x128x128xf32, #tpu.memory_space<vmem>>
        %dma_start3A_124 = tpu.memref_squeeze %dma_start3A_123 : memref<1x128x128xf32, #tpu.memory_space<vmem>> -> memref<128x128xf32, #tpu.memory_space<vmem>>
        %dma_start3A_125 = arith.constant 0 : i32
        %dma_start3A_126 = arith.constant 0 : i32
        %dma_start3A_127 = tpu.memref_slice %arg4[%add3A_119, %dma_start3A_125, %dma_start3A_126] : memref<6400x128x128xf32, #tpu.memory_space<hbm>> -> memref<1x128x128xf32, #tpu.memory_space<hbm>>
        %dma_start3A_128 = tpu.memref_squeeze %dma_start3A_127 : memref<1x128x128xf32, #tpu.memory_space<hbm>> -> memref<128x128xf32, #tpu.memory_space<hbm>>
        %dma_start3A_129 = arith.constant 0 : i32
        %dma_start3A_130 = arith.constant 0 : i32
        %dma_start3A_131 = tpu.memref_slice %arg4[%add3A_119, %dma_start3A_129, %dma_start3A_130] : memref<6400x128x128xf32, #tpu.memory_space<hbm>> -> memref<1x128x128xf32, #tpu.memory_space<hbm>>
        %dma_start3A_132 = tpu.memref_squeeze %dma_start3A_131 : memref<1x128x128xf32, #tpu.memory_space<hbm>> -> memref<128x128xf32, #tpu.memory_space<hbm>>
        %dma_start3A_133 = arith.constant 0 : i32
        %dma_start3A_134 = arith.constant 0 : i32
        %dma_start3A_135 = tpu.memref_slice %arg6[%dma_start3A_120, %dma_start3A_133, %dma_start3A_134] : memref<6x128x128xf32, #tpu.memory_space<vmem>> -> memref<1x128x128xf32, #tpu.memory_space<vmem>>
        %dma_start3A_136 = tpu.memref_squeeze %dma_start3A_135 : memref<1x128x128xf32, #tpu.memory_space<vmem>> -> memref<128x128xf32, #tpu.memory_space<vmem>>
        tpu.enqueue_dma source(%dma_start3A_136 : memref<128x128xf32, #tpu.memory_space<vmem>>) target(%dma_start3A_132 : memref<128x128xf32, #tpu.memory_space<hbm>>) target_semaphore(%arg18 : memref<!tpu.dma_semaphore, #tpu.memory_space<semaphore_mem>>)
        %ge3A = arith.constant 3 : i32
        %ge3A_137 = arith.cmpi sge, %scan3A_78, %ge3A : i32
        %convert_element_type3A_138 = arith.extui %ge3A_137 : i1 to i32
        %cond3A_139 = arith.constant 0 : i32
        %cond3A_140 = arith.cmpi ne, %convert_element_type3A_138, %cond3A_139 : i32
        scf.if %cond3A_140 {
          %dma_wait3A_147 = arith.constant 0 : i32
          %dma_wait3A_148 = arith.constant 2 : i32
          %dma_wait3A_149 = arith.constant 0 : i32
          %dma_wait3A_150 = arith.constant 0 : i32
          %dma_wait3A_151 = tpu.memref_slice %arg6[%dma_wait3A_148, %dma_wait3A_149, %dma_wait3A_150] : memref<6x128x128xf32, #tpu.memory_space<vmem>> -> memref<1x128x128xf32, #tpu.memory_space<vmem>>
          %dma_wait3A_152 = tpu.memref_squeeze %dma_wait3A_151 : memref<1x128x128xf32, #tpu.memory_space<vmem>> -> memref<128x128xf32, #tpu.memory_space<vmem>>
          %dma_wait3A_153 = arith.constant 0 : i32
          %dma_wait3A_154 = tpu.memref_slice %arg5[%dma_wait3A_147, %dma_wait3A_153] : memref<200x128xi32, #tpu.memory_space<vmem>> -> memref<1x128xi32, #tpu.memory_space<vmem>>
          %dma_wait3A_155 = tpu.memref_squeeze %dma_wait3A_154 : memref<1x128xi32, #tpu.memory_space<vmem>> -> memref<128xi32, #tpu.memory_space<vmem>>
          %dma_wait3A_156 = arith.constant 0 : i32
          %dma_wait3A_157 = arith.constant 0 : i32
          %dma_wait3A_158 = tpu.memref_slice %arg2[%dma_wait3A_156, %dma_wait3A_157] : memref<100000x128xf32, #tpu.memory_space<hbm>> -> memref<100000x128xf32, #tpu.memory_space<hbm>>
          tpu.wait_indirect_dma semaphore(%arg15 : memref<!tpu.dma_semaphore, #tpu.memory_space<semaphore_mem>>) src(%dma_wait3A_158 : memref<100000x128xf32, #tpu.memory_space<hbm>>) dst(%dma_wait3A_152 : memref<128x128xf32, #tpu.memory_space<vmem>>)
        } else {
        }
        %add3A_141 = arith.constant 3 : i32
        %add3A_142 = arith.addi %scan3A_78, %add3A_141 : i32
        %lt3A = arith.constant 200 : i32
        %lt3A_143 = arith.cmpi slt, %add3A_142, %lt3A : i32
        %convert_element_type3A_144 = arith.extui %lt3A_143 : i1 to i32
        %cond3A_145 = arith.constant 0 : i32
        %cond3A_146 = arith.cmpi ne, %convert_element_type3A_144, %cond3A_145 : i32
        scf.if %cond3A_146 {
          %add3A_147 = arith.constant 3 : i32
          %add3A_148 = arith.addi %scan3A_78, %add3A_147 : i32
          %dma_start3A_149 = arith.constant 2 : i32
          %dma_start3A_150 = arith.constant 0 : i32
          %dma_start3A_151 = arith.constant 0 : i32
          %dma_start3A_152 = tpu.memref_slice %arg6[%dma_start3A_149, %dma_start3A_150, %dma_start3A_151] : memref<6x128x128xf32, #tpu.memory_space<vmem>> -> memref<1x128x128xf32, #tpu.memory_space<vmem>>
          %dma_start3A_153 = tpu.memref_squeeze %dma_start3A_152 : memref<1x128x128xf32, #tpu.memory_space<vmem>> -> memref<128x128xf32, #tpu.memory_space<vmem>>
          %dma_start3A_154 = arith.constant 0 : i32
          %dma_start3A_155 = tpu.memref_slice %arg5[%add3A_148, %dma_start3A_154] : memref<200x128xi32, #tpu.memory_space<vmem>> -> memref<1x128xi32, #tpu.memory_space<vmem>>
          %dma_start3A_156 = tpu.memref_squeeze %dma_start3A_155 : memref<1x128xi32, #tpu.memory_space<vmem>> -> memref<128xi32, #tpu.memory_space<vmem>>
          %dma_start3A_157 = arith.constant 0 : i32
          %dma_start3A_158 = arith.constant 0 : i32
          %dma_start3A_159 = tpu.memref_slice %arg2[%dma_start3A_157, %dma_start3A_158] : memref<100000x128xf32, #tpu.memory_space<hbm>> -> memref<100000x128xf32, #tpu.memory_space<hbm>>
          tpu.enqueue_indirect_dma source(%dma_start3A_159 : memref<100000x128xf32, #tpu.memory_space<hbm>>) target(%dma_start3A_153 : memref<128x128xf32, #tpu.memory_space<vmem>>) offsets(%dma_start3A_156 : memref<128xi32, #tpu.memory_space<vmem>>) semaphore(%arg9 : memref<!tpu.dma_semaphore, #tpu.memory_space<semaphore_mem>>)
        } else {
        }
      } else {
      }
    }
    %scan3A_42 = arith.constant 200 : i32
    %dma_wait3A = arith.constant 0 : i32
    %dma_wait3A_43 = arith.constant 5 : i32
    %dma_wait3A_44 = arith.constant 0 : i32
    %dma_wait3A_45 = arith.constant 0 : i32
    %dma_wait3A_46 = tpu.memref_slice %arg6[%dma_wait3A_43, %dma_wait3A_44, %dma_wait3A_45] : memref<6x128x128xf32, #tpu.memory_space<vmem>> -> memref<1x128x128xf32, #tpu.memory_space<vmem>>
    %dma_wait3A_47 = tpu.memref_squeeze %dma_wait3A_46 : memref<1x128x128xf32, #tpu.memory_space<vmem>> -> memref<128x128xf32, #tpu.memory_space<vmem>>
    %dma_wait3A_48 = arith.constant 0 : i32
    %dma_wait3A_49 = tpu.memref_slice %arg5[%dma_wait3A, %dma_wait3A_48] : memref<200x128xi32, #tpu.memory_space<vmem>> -> memref<1x128xi32, #tpu.memory_space<vmem>>
    %dma_wait3A_50 = tpu.memref_squeeze %dma_wait3A_49 : memref<1x128xi32, #tpu.memory_space<vmem>> -> memref<128xi32, #tpu.memory_space<vmem>>
    %dma_wait3A_51 = arith.constant 0 : i32
    %dma_wait3A_52 = arith.constant 0 : i32
    %dma_wait3A_53 = tpu.memref_slice %arg2[%dma_wait3A_51, %dma_wait3A_52] : memref<100000x128xf32, #tpu.memory_space<hbm>> -> memref<100000x128xf32, #tpu.memory_space<hbm>>
    tpu.wait_indirect_dma semaphore(%arg18 : memref<!tpu.dma_semaphore, #tpu.memory_space<semaphore_mem>>) src(%dma_wait3A_53 : memref<100000x128xf32, #tpu.memory_space<hbm>>) dst(%dma_wait3A_47 : memref<128x128xf32, #tpu.memory_space<vmem>>)
    %dma_wait3A_54 = arith.constant 0 : i32
    %dma_wait3A_55 = arith.constant 0 : i32
    %dma_wait3A_56 = arith.constant 0 : i32
    %dma_wait3A_57 = arith.constant 0 : i32
    %dma_wait3A_58 = tpu.memref_slice %arg6[%dma_wait3A_55, %dma_wait3A_56, %dma_wait3A_57] : memref<6x128x128xf32, #tpu.memory_space<vmem>> -> memref<1x128x128xf32, #tpu.memory_space<vmem>>
    %dma_wait3A_59 = tpu.memref_squeeze %dma_wait3A_58 : memref<1x128x128xf32, #tpu.memory_space<vmem>> -> memref<128x128xf32, #tpu.memory_space<vmem>>
    %dma_wait3A_60 = arith.constant 0 : i32
    %dma_wait3A_61 = tpu.memref_slice %arg5[%dma_wait3A_54, %dma_wait3A_60] : memref<200x128xi32, #tpu.memory_space<vmem>> -> memref<1x128xi32, #tpu.memory_space<vmem>>
    %dma_wait3A_62 = tpu.memref_squeeze %dma_wait3A_61 : memref<1x128xi32, #tpu.memory_space<vmem>> -> memref<128xi32, #tpu.memory_space<vmem>>
    %dma_wait3A_63 = arith.constant 0 : i32
    %dma_wait3A_64 = arith.constant 0 : i32
    %dma_wait3A_65 = tpu.memref_slice %arg2[%dma_wait3A_63, %dma_wait3A_64] : memref<100000x128xf32, #tpu.memory_space<hbm>> -> memref<100000x128xf32, #tpu.memory_space<hbm>>
    tpu.wait_indirect_dma semaphore(%arg13 : memref<!tpu.dma_semaphore, #tpu.memory_space<semaphore_mem>>) src(%dma_wait3A_65 : memref<100000x128xf32, #tpu.memory_space<hbm>>) dst(%dma_wait3A_59 : memref<128x128xf32, #tpu.memory_space<vmem>>)
    %dma_wait3A_66 = arith.constant 0 : i32
    %dma_wait3A_67 = arith.constant 1 : i32
    %dma_wait3A_68 = arith.constant 0 : i32
    %dma_wait3A_69 = arith.constant 0 : i32
    %dma_wait3A_70 = tpu.memref_slice %arg6[%dma_wait3A_67, %dma_wait3A_68, %dma_wait3A_69] : memref<6x128x128xf32, #tpu.memory_space<vmem>> -> memref<1x128x128xf32, #tpu.memory_space<vmem>>
    %dma_wait3A_71 = tpu.memref_squeeze %dma_wait3A_70 : memref<1x128x128xf32, #tpu.memory_space<vmem>> -> memref<128x128xf32, #tpu.memory_space<vmem>>
    %dma_wait3A_72 = arith.constant 0 : i32
    %dma_wait3A_73 = tpu.memref_slice %arg5[%dma_wait3A_66, %dma_wait3A_72] : memref<200x128xi32, #tpu.memory_space<vmem>> -> memref<1x128xi32, #tpu.memory_space<vmem>>
    %dma_wait3A_74 = tpu.memref_squeeze %dma_wait3A_73 : memref<1x128xi32, #tpu.memory_space<vmem>> -> memref<128xi32, #tpu.memory_space<vmem>>
    %dma_wait3A_75 = arith.constant 0 : i32
    %dma_wait3A_76 = arith.constant 0 : i32
    %dma_wait3A_77 = tpu.memref_slice %arg2[%dma_wait3A_75, %dma_wait3A_76] : memref<100000x128xf32, #tpu.memory_space<hbm>> -> memref<100000x128xf32, #tpu.memory_space<hbm>>
    tpu.wait_indirect_dma semaphore(%arg14 : memref<!tpu.dma_semaphore, #tpu.memory_space<semaphore_mem>>) src(%dma_wait3A_77 : memref<100000x128xf32, #tpu.memory_space<hbm>>) dst(%dma_wait3A_71 : memref<128x128xf32, #tpu.memory_space<vmem>>)
    return
  }
}

</mosaic_0001>

<sc_bundles>
// kernel: _sc_gather.3.cloned.1.call-start
scs
__scs_entry_jumppad:
0x0: {  	(pc) =	sbr.rel $0x88, $3  }
0x1: {  	(tag) =	ssettag $0x0;
	lr =	simm.s32 $0x1  }
0x2: {  	[smem:$0x3F9F] =	sst lr;
	_ =	strace $0xD0000000  }
0x3: {  	_ = 	snop  }
0x4: {  	_ = 	snop  }
0x5: {  	_ = 	snop  }
0x6: {  	_ = 	snop  }
0x7: {  	_ = 	snop  }
__scs_overlays_trampoline_lowered:
0x8: {  	[smem:$0x3FAE] =	sst s0  }
0x9: {  	[smem:$0x3FAF] =	sst s1  }
0xa: {  	[smem:$0x3FB0] =	sst s2  }
0xb: {  	[smem:$0x3FB1] =	sst s3  }
0xc: {  	[smem:$0x3FB2] =	sst s4  }
0xd: {  	[smem:$0x3FB3] =	sst s5  }
0xe: {  	[smem:$0x3FB4] =	sst s6  }
0xf: {  	[smem:$0x3FB5] =	sst s7  }
0x10: {  	[smem:$0x3FB6] =	sst s8  }
0x11: {  	[smem:$0x3FB7] =	sst s9;
	s0 =	simm.s32 @!p0 $0x0  }
0x12: {  	s1 =	sld [smem:$0x3F9D];
	s0 =	simm.s32 @p0 $0x1  }
0x13: {  	[smem:$0x3FB8] =	sst s0;
	s0 =	simm.s32 @!p1 $0x0  }
0x14: {  	s2 =	sld [smem:$0x3F9C];
	s0 =	simm.s32 @p1 $0x1  }
0x15: {  	[smem:$0x3FB9] =	sst s0;
	s0 =	simm.s32 @!p2 $0x0  }
0x16: {  	s3 =	sld [smem:$0x3FDB];
	s0 =	simm.s32 @p2 $0x1  }
0x17: {  	s4 =	simm.s32 $0x1BF5;
	[smem:$0x3FBB] =	sst s0  }
0x18: {  	s0 =	sld [smem:$0x3F9E];
	_ =	swait.ge [sflag:s4], $0x0  }
0x19: {  	s7 =	sld [smem:$0x3F9F]  }
0x1a: {  	s8 =	sadd.s32 $0xFFFFE003, lr  }
0x1b: {  	s9 =	sadd.s32 $0xFFFFFEF7, lr;
	s5 =	simm.s32 $0xFFFFFFFF;
	p2 =	slt.u32 s8, $0xFFFFF086  }
0x1c: {  	p1 =	slt.u32 s9, $0xF7A;
	s5 =	simm.s32 @!p2 $0x0  }
0x1d: {  	s5 =	simm.s32 @p1 $0x1;
	p0 =	seq.s32 s7, s2  }
0x1e: {  	s7 =	smul.u32 @!p0 $0xF7A, s2;
	p2 =	seq.s32 @!p0 s5, $0x0  }
0x1f: {  	s9 =	smul.u32 $0xF7A, s1;
	s8 =	simm.s32 @!p0 $0x1BF5;
	p2 =	por !p2, p0  }
0x20: {  	[sflag:s8] =	ssyncset.s32 @!p0 $0xFFFFF086;
	s6 =	sadd.s32 @!p0 s3, s7;
	s7 =	simm.s32 @!p0 $0x108  }
0x21: {  	s3 =	sadd.s32 s3, s9;
	s6 =	sadd.s32 @!p0 $0x88, s6;
	s7 =	simm.s32 @p2 $0x1082  }
0x22: {  	[simem:s7], [sflag:s8] =	dma.local @!p0 [hbm:s6], $0xF7A  }
0x23: {  	s9 =	sor.u32 $0xD0000000, s2;
	s6 =	simm.s32 $0x108;
	_ =	swait.ge @!p0 [sflag:s8], $0x0  }
0x24: {  	s3 =	sadd.s32 $0x88, s3;
	s6 =	simm.s32 @!p1 $0x1082;
	[sflag:s4] =	ssyncset.s32 $0xFFFFF086  }
0x25: {  	[simem:s6], [sflag:s4] =	dma.local [hbm:s3], $0xF7A  }
0x26: {  	[smem:$0x3F9F] =	sst s1;
	(tag) =	ssettag s2;
	_ =	strace s9  }
0x27: {  	s1 =	sld [smem:$0x3FAF]  }
0x28: {  	s2 =	sld [smem:$0x3FB0]  }
0x29: {  	s4 =	sld [smem:$0x3FB2]  }
0x2a: {  	p0 =	seq.s32 s5, $0x0;
	s5 =	sld [smem:$0x3FB3]  }
0x2b: {  	s6 =	sld [smem:$0x3FB4]  }
0x2c: {  	s7 =	sld [smem:$0x3FB5]  }
0x2d: {  	s3 =	simm.s32 $0x108;
	s8 =	sld [smem:$0x3FB6]  }
0x2e: {  	s3 =	simm.s32 @!p0 $0x1082;
	s9 =	sld [smem:$0x3FB7]  }
0x2f: {  	lr =	sadd.s32 s0, s3;
	s0 =	sld [smem:$0x3FAE]  }
0x30: {  	s3 =	sld [smem:$0x3FB1]  }
0x31: {  	[smem:$0x3FBA] =	sst s10  }
0x32: {  	s10 =	sld [smem:$0x3FB8];
	_ =	sdelay $0x3  }
0x33: {  	p0 =	seq.s32 s10, $0x1;
	s10 =	sld [smem:$0x3FBA];
	_ =	sdelay $0x3  }
0x34: {  	[smem:$0x3FBA] =	sst s10  }
0x35: {  	s10 =	sld [smem:$0x3FB9];
	_ =	sdelay $0x3  }
0x36: {  	p1 =	seq.s32 s10, $0x1;
	s10 =	sld [smem:$0x3FBA];
	_ =	sdelay $0x3  }
0x37: {  	[smem:$0x3FBA] =	sst s10  }
0x38: {  	s10 =	sld [smem:$0x3FBB]  }
0x39: {  	_ = 	snop;
	(pc) =	sbr.ind lr, $3  }
0x3a: {  	_ = 	snop  }
0x3b: {  	_ = 	snop  }
0x3c: {  	p2 =	seq.s32 s10, $0x1;
	s10 =	sld [smem:$0x3FBA]  }
0x3d: {  	_ =	shalt  }
0x3e: {  	_ =	shalt  }
0x3f: {  	_ =	shalt  }
0x40: {  	_ =	shalt  }
0x41: {  	_ =	shalt  }
0x42: {  	_ =	shalt  }
0x43: {  	_ =	shalt  }
0x44: {  	_ =	shalt  }
0x45: {  	_ =	shalt  }
0x46: {  	_ =	shalt  }
0x47: {  	_ =	shalt  }
0x48: {  	_ =	shalt  }
0x49: {  	_ =	shalt  }
0x4a: {  	_ =	shalt  }
0x4b: {  	_ =	shalt  }
0x4c: {  	_ =	shalt  }
0x4d: {  	_ =	shalt  }
0x4e: {  	_ =	shalt  }
0x4f: {  	_ =	shalt  }
0x50: {  	_ =	shalt  }
0x51: {  	_ =	shalt  }
0x52: {  	_ =	shalt  }
0x53: {  	_ =	shalt  }
0x54: {  	_ =	shalt  }
0x55: {  	_ =	shalt  }
0x56: {  	_ =	shalt  }
0x57: {  	_ =	shalt  }
0x58: {  	_ =	shalt  }
0x59: {  	_ =	shalt  }
0x5a: {  	_ =	shalt  }
0x5b: {  	_ =	shalt  }
0x5c: {  	_ =	shalt  }
0x5d: {  	_ =	shalt  }
0x5e: {  	_ =	shalt  }
0x5f: {  	_ =	shalt  }
0x60: {  	_ =	shalt  }
0x61: {  	_ =	shalt  }
0x62: {  	_ =	shalt  }
0x63: {  	_ =	shalt  }
0x64: {  	_ =	shalt  }
0x65: {  	_ =	shalt  }
0x66: {  	_ =	shalt  }
0x67: {  	_ =	shalt  }
0x68: {  	_ =	shalt  }
0x69: {  	_ =	shalt  }
0x6a: {  	_ =	shalt  }
0x6b: {  	_ =	shalt  }
0x6c: {  	_ =	shalt  }
0x6d: {  	_ =	shalt  }
0x6e: {  	_ =	shalt  }
0x6f: {  	_ =	shalt  }
0x70: {  	_ =	shalt  }
0x71: {  	_ =	shalt  }
0x72: {  	_ =	shalt  }
0x73: {  	_ =	shalt  }
0x74: {  	_ =	shalt  }
0x75: {  	_ =	shalt  }
0x76: {  	_ =	shalt  }
0x77: {  	_ =	shalt  }
0x78: {  	_ =	shalt  }
0x79: {  	_ =	shalt  }
0x7a: {  	_ =	shalt  }
0x7b: {  	_ =	shalt  }
0x7c: {  	_ =	shalt  }
0x7d: {  	_ =	shalt  }
0x7e: {  	_ =	shalt  }
0x7f: {  	_ =	shalt  }
0x80: {  	_ =	shalt  }
0x81: {  	_ =	shalt  }
0x82: {  	_ =	shalt  }
0x83: {  	_ =	shalt  }
0x84: {  	_ =	shalt  }
0x85: {  	_ =	shalt  }
0x86: {  	_ =	shalt  }
0x87: {  	_ =	shalt  }
.Lfunc_end0:
.L_simem_size_0:
called_computation_lowered:
.L_overlay_start_0:
0x88: {  	s2 =	sld [smem:$0x3FD9]  }
0x89: {  	s3 =	sld [smem:$0x3FFE];
	_ =	sdelay $0x1  }
0x8a: {  	s1 =	srdreg.scid  }
0x8b: {  	s0 =	sand.u32 $0x1, s1  }
0x8c: {  	s18 =	sshll.u32 s0, $0xA;
	s2 =	sadd.s32 s3, s2  }
0x8d: {  	s2 =	sadd.s32 s2, s18  }
0x8e: {  	[smem:$0x3FC6] =	sst s2  }
0x8f: {  	_ = 	snop  }
0x90: {  	s2 =	sld [smem:$0x3FC9]  }
0x91: {  	s19 =	sld [smem:$0x3FC8]  }
0x92: {  	s4 =	sld [smem:$0x3FD0];
	(tm) =	ssettm $0x1  }
0x93: {  	s5 =	sld [smem:$0x3FFB];
	_ =	sdelay $0x3  }
0x94: {  	_ =	strace s5  }
0x95: {  	s5 =	sld [smem:$0x3FFC];
	_ =	sdelay $0x3  }
0x96: {  	_ =	strace s5  }
0x97: {  	s5 =	sld [smem:$0x3FFD];
	_ =	sdelay $0x3  }
0x98: {  	_ =	strace s5  }
0x99: {  	_ =	strace $0x8FFFFFFF  }
0x9a: {  	s20 =	sld [smem:$0x3FDB];
	_ =	sdelay $0x1  }
0x9b: {  	s6 =	simm.s32 $_scs_section_size  }
0x9c: {  	s7 =	simm.s32 $_size__tile_overlayer_lowered;
	s8 =	simm.s32 $_tile_overlayer_lowered  }
0x9d: {  	s23 =	simm.s32 $0x1BFF;
	s22 =	sshll.u32 s8, $0x1;
	s5 =	sadd.s32 s6, s20  }
0x9e: {  	s9 =	simm.s32 $0x0;
	s21 =	sshll.u32 s7, $0x1;
	s7 =	sadd.s32 s22, s5  }
0x9f: {  	[timem:s9], [sflag:s23] =	dma.local [hbm:s7], s21  }
0xa0: {  	_ =	swait.ge [sflag:s23], s21  }
0xa1: {  	s6 =	ssub.s32 $0x0, s21;
	[sflag:s23] =	ssyncset.done $0x0  }
0xa2: {  	[sflag:s23] =	ssyncadd.s32 s6;
	_ =	sdelay $0x1  }
0xa3: {  	s24 =	simm.s32 $0x1B8B  }
0xa4: {  	_ =	swait.ge [sflag:s24], $0x1  }
0xa5: {  	[sflag:s24] =	ssyncset.done $0x0  }
0xa6: {  	s25 =	simm.s32 $0x1B8E;
	[sflag:s24] =	ssyncadd.s32 $0xFFFFFFFF  }
0xa7: {  	s26 =	simm.s32 $execute0_lowered;
	[smem:$0x3FD2] =	sst s25  }
0xa8: {  	s6 =	sshll.u32 s26, $0x1;
	_ =	strace $0x80000046;
	[dreg:$0x1] =	wrdreg $0xFFFFFFFF  }
0xa9: {  	s28 =	simm.s32 $_size_execute0_lowered;
	s5 =	sadd.s32 s5, s6;
	[dreg:$0x0] =	wrdreg $0x0  }
0xaa: {  	s6 =	sshll.u32 s28, $0x1;
	[dreg:$0x2] =	wrdreg s5  }
0xab: {  	[dreg:$0x3] =	wrdreg s6  }
0xac: {  	[dreg:$0x4] =	wrdreg $0xC0  }
0xad: {  	_ =	task [dreg:s9], $0x5FFFF  }
0xae: {  	[dreg:$0x1] =	wrdreg $0xFFFFFFFF  }
0xaf: {  	[dreg:$0x0] =	wrdreg $0x60  }
0xb0: {  	[dreg:$0x2] =	wrdreg s2  }
0xb1: {  	[dreg:$0x3] =	wrdreg s19  }
0xb2: {  	[dreg:$0x4] =	wrdreg s4  }
0xb3: {  	[dreg:$0x5] =	wrdreg $0x9  }
0xb4: {  	_ =	task.clear_ibuf [dreg:s9], $0x6FFFF;
	_ =	strace $0x90000046  }
0xb5: {  	s29 =	simm.s32 $0x9;
	_ =	strace $0x80000048  }
0xb6: {  	_ =	swait.ge [sflag:s29], $0x1  }
0xb7: {  	[sflag:s29] =	ssyncadd.s32 $0xFFFFFFFF  }
0xb8: {  	_ =	strace $0x90000048  }
0xb9: {  	_ =	sfence  }
0xba: {  	s30 =	sld [smem:$0x0];
	_ =	sdelay $0x2  }
0xbb: {  	s31 =	sshll.u32 s1, $0xD;
	s1 =	sshrl.u32 s1, $0x2  }
0xbc: {  	s3 =	sand.u32 $0x4000, s31;
	s1 =	sadd.s32 s1, s30  }
0xbd: {  	s0 =	sor.u32 s3, s0;
	s1 =	sshll.u32 s1, $0x11  }
0xbe: {  	s0 =	sor.u32 s1, s0  }
0xbf: {  	s0 =	sadd.s32 $0x8F2B, s0  }
0xc0: {  	[sflag:s0] =	ssyncadd.remote.s32 $0x1  }
0xc1: {  	_ =	sfence.sel $0xFFFF  }
0xc2: {  	[dreg:$0x0] =	wrdreg $0xFFFFFFFF;
	(pc) =	sbr.abs _section_cstart, $3  }
0xc3: {  	[dreg:$0x1] =	wrdreg $0xFFFFFFFF  }
0xc4: {  	_ =	task.clear_ibuf [dreg:s9], $0x2FFFF;
	_ =	strace $0x9FFFFFFF  }
0xc5: {  	(tm) =	ssettm $0x7FFFFFFF  }
tec
execute0_lowered:
.L_overlay_start_1:
0x0: {  	(tag) =	ssettag $0x1  }
0x1: {  	s1 =	rddreg [dreg:$0x0]  }
0x2: {  	s2 =	srdreg.scid;
	s4 =	rddreg [dreg:$0x1]  }
0x3: {  	s0 =	stileid.u32;
	s6 =	rddreg [dreg:$0x2];
	s3 =	simm.s32 $0x0  }
0x4: {  	s12 =	simm.s32 $0xE400;
	s13 =	simm.s32 $0x1;
	s14 =	simm.s32 $0x12400  }
0x5: {  	s15 =	simm.s32 $0x2;
	s16 =	simm.s32 $0x16400;
	s17 =	simm.s32 $0x3  }
0x6: {  	s18 =	simm.s32 $0x1A400;
	s19 =	simm.s32 $0xC;
	s20 =	simm.s32 $0x7  }
0x7: {  	s21 =	simm.s32 $0x8;
	s22 =	simm.s32 $0x0;
	s5 =	sand.u32 $0x1, s2  }
0x8: {  	s30 =	sshll.u32 s0, $0x1;
	s2 =	rddreg [dreg:$0x3];
	s9 =	smul.u32 $0xC8000, s0  }
0x9: {  	[smem:$0x7FF] =	sst s3;
	s7 =	sor.u32 s5, s30;
	s11 =	smul.u32 $0x64000, s5  }
.Ltmp0:
0xa: {  	s8 =	ssub.s32 $0x2, s5;
	_ =	strace $0x80000047;
	(pc) =	sbr.rel .LBB2_1-.Ltmp0, $4  }
0xb: {  	s7 =	smul.u32 $0xC80, s7;
	s10 =	sshrl.u32 s8, $0x1;
	s6 =	sadd.s32 s9, s6  }
0xc: {  	s9 =	simm.s32 $0x6400;
	s31 =	ssub.s32 s8, s10;
	s6 =	sadd.s32 s11, s6  }
0xd: {  	s8 =	simm.s32 $0x80;
	s10 =	simm.s32 $0xA400;
	s11 =	simm.s32 $0x100  }
0xe: {  	s4 =	sadd.s32 s4, s7;
	s5 =	smax.u32 s31, $0x1;
	s7 =	simm.s32 $0xD  }
.LBB2_12:
0xf: {  	_ =	swait.ge [sflag:s19], $0x4000  }
0x10: {  	[sflag:s19] =	ssyncset.done $0x0  }
0x11: {  	s22 =	sadd.s32 $0x1, s22;
	[sflag:s19] =	ssyncadd.s32 $0xFFFFC000  }
0x12: {  	p0 =	sne.s32 s22, s5;
	_ =	swait.ge [sflag:s20], $0x4000  }
.Ltmp1:
0x13: {  	[sflag:s20] =	ssyncset.done $0x0;
	(pc) =	sbr.rel @!p0 .LBB2_13-.Ltmp1, $4  }
0x14: {  	[sflag:s20] =	ssyncadd.s32 $0xFFFFC000  }
0x15: {  	_ =	swait.ge [sflag:s21], $0x4000  }
0x16: {  	[sflag:s21] =	ssyncset.done $0x0  }
0x17: {  	[sflag:s21] =	ssyncadd.s32 $0xFFFFC000  }
.LBB2_1:
0x18: {  	[tilespmem:s3], [sflag:$0xD] =	stream.linear.gather [hbm4b:s4+s3], $0x6400, $0x38;
	[tilespmem:$0x1E400] =	vst v63  }
0x19: {  	_ =	swait.ge [sflag:s7], $0x6400  }
0x1a: {  	[sflag:s7] =	ssyncset.done $0x0  }
0x1b: {  	[sflag:s7] =	ssyncadd.s32 $0xFFFF9C00  }
0x1c: {  	[tilespmem:s9], [sflag:$0x1] =	stream.indirect.gather [hbm4b:s1+s8], $0x80, s3, s8, $0xb8;
	[tilespmem:$0x1E400] =	vst v63  }
.Ltmp2:
0x1d: {  	_ = 	snop;
	(pc) =	sbr.rel .LBB2_2-.Ltmp2, $4  }
0x1e: {  	_ = 	snop  }
0x1f: {  	[tilespmem:s10], [sflag:$0x2] =	stream.indirect.gather [hbm4b:s1+s8], $0x80, s8, s8, $0xb8;
	[tilespmem:$0x1E400] =	vst v63  }
0x20: {  	s23 =	simm.s32 $0x180;
	s24 =	smov.u32 s6;
	s25 =	simm.s32 $0x0  }
0x21: {  	[tilespmem:s12], [sflag:$0x3] =	stream.indirect.gather [hbm4b:s1+s8], $0x80, s11, s8, $0xb8;
	[tilespmem:$0x1E400] =	vst v63  }
.LBB2_7:
0x22: {  	p0 =	seq.s32 s26, $0x3  }
0x23: {  	s28 =	simm.s32 @p0 $0x4  }
0x24: {  	_ =	swait.ge @p0 [sflag:s28], $0x4000  }
0x25: {  	[sflag:s28] =	ssyncset.done @p0 $0x0  }
0x26: {  	s29 =	simm.s32 @p0 $0x12400;
	[sflag:s28] =	ssyncadd.s32 @p0 $0xFFFFC000;
	s28 =	simm.s32 @p0 $0x0  }
0x27: {  	[hbm4b:s24+s28] =	stream.linear.scatter @p0 [tilespmem:s29], [sflag:$0xA], $0x4000, $0x38;
	[tilespmem:$0x1E400] =	vst v63  }
0x28: {  	s28 =	simm.s32 @p0 $0x7  }
0x29: {  	p1 =	sgt.u32 @p0 s25, $0xC4;
	_ =	swait.ge @p0 [sflag:s28], $0x4000  }
0x2a: {  	p1 =	por p1, !p0;
	[sflag:s28] =	ssyncset.done @p0 $0x0  }
0x2b: {  	s29 =	simm.s32 @!p1 $0x6400;
	[sflag:s28] =	ssyncadd.s32 @p0 $0xFFFFC000;
	s28 =	simm.s32 @!p1 $0x80  }
0x2c: {  	[tilespmem:s29], [sflag:$0x1] =	stream.indirect.gather @!p1 [hbm4b:s1+s28], $0x80, s23, s28, $0xb8;
	[tilespmem:$0x1E400] =	vst v63  }
0x2d: {  	p1 =	seq.s32 @!p0 s26, $0x4  }
0x2e: {  	p2 =	por !p1, p0  }
0x2f: {  	s26 =	simm.s32 @!p2 $0x5  }
0x30: {  	_ =	swait.ge @!p2 [sflag:s26], $0x4000  }
0x31: {  	s28 =	simm.s32 @!p2 $0x16400;
	[sflag:s26] =	ssyncset.done @!p2 $0x0  }
0x32: {  	p3 =	sgt.u32 @!p2 s25, $0xC4;
	[sflag:s26] =	ssyncadd.s32 @!p2 $0xFFFFC000;
	s26 =	simm.s32 @!p2 $0x0  }
0x33: {  	[hbm4b:s24+s26] =	stream.linear.scatter @!p2 [tilespmem:s28], [sflag:$0xB], $0x4000, $0x38;
	[tilespmem:$0x1E400] =	vst v63  }
0x34: {  	p3 =	por @!p0 p3, !p1;
	s26 =	simm.s32 @!p2 $0x8  }
0x35: {  	p3 =	por p3, p0;
	_ =	swait.ge @!p2 [sflag:s26], $0x4000  }
0x36: {  	s28 =	simm.s32 @!p3 $0xA400;
	[sflag:s26] =	ssyncset.done @!p2 $0x0  }
0x37: {  	[sflag:s26] =	ssyncadd.s32 @!p2 $0xFFFFC000;
	s26 =	simm.s32 @!p3 $0x80;
	p2 =	por p1, p0  }
0x38: {  	[tilespmem:s28], [sflag:$0x2] =	stream.indirect.gather @!p3 [hbm4b:s1+s26], $0x80, s23, s26, $0xb8;
	[tilespmem:$0x1E400] =	vst v63  }
0x39: {  	s26 =	simm.s32 @!p2 $0x6  }
0x3a: {  	_ =	swait.ge @!p2 [sflag:s26], $0x4000  }
0x3b: {  	[sflag:s26] =	ssyncset.done @!p2 $0x0  }
0x3c: {  	s28 =	simm.s32 @!p2 $0x1A400;
	[sflag:s26] =	ssyncadd.s32 @!p2 $0xFFFFC000;
	s26 =	simm.s32 @!p2 $0x0  }
0x3d: {  	[hbm4b:s24+s26] =	stream.linear.scatter @!p2 [tilespmem:s28], [sflag:$0xC], $0x4000, $0x38;
	[tilespmem:$0x1E400] =	vst v63  }
0x3e: {  	p3 =	sgt.u32 @!p2 s25, $0xC4;
	s26 =	simm.s32 @!p2 $0x9  }
0x3f: {  	p1 =	por @!p0 p3, p1;
	_ =	swait.ge @!p2 [sflag:s26], $0x4000  }
0x40: {  	p0 =	por p1, p0;
	[sflag:s26] =	ssyncset.done @!p2 $0x0  }
0x41: {  	s28 =	simm.s32 @!p0 $0xE400;
	[sflag:s26] =	ssyncadd.s32 @!p2 $0xFFFFC000;
	s26 =	simm.s32 @!p0 $0x80  }
0x42: {  	[tilespmem:s28], [sflag:$0x3] =	stream.indirect.gather @!p0 [hbm4b:s1+s26], $0x80, s23, s26, $0xb8;
	[tilespmem:$0x1E400] =	vst v63  }
.LBB2_11:
0x43: {  	s25 =	sadd.s32 $0x1, s25  }
0x44: {  	p0 =	sne.s32 s25, $0xC8  }
.Ltmp3:
0x45: {  	_ = 	snop;
	(pc) =	sbr.rel @!p0 .LBB2_12-.Ltmp3, $2  }
0x46: {  	_ =	sdelay $0x2  }
0x47: {  	s23 =	sadd.s32 $0x80, s23;
	s24 =	sadd.s32 $0x800, s24  }
.LBB2_2:
0x48: {  	s26 =	smul.u32 $0xAB, s25;
	_ =	sdelay $0x1  }
0x49: {  	s26 =	sshrl.u32 s26, $0xA  }
0x4a: {  	s26 =	sand.u32 $0x3F, s26  }
0x4b: {  	s26 =	smul.u32 $0x6, s26;
	_ =	sdelay $0x1  }
0x4c: {  	s26 =	ssub.s32 s25, s26  }
0x4d: {  	s26 =	sand.u32 $0xFF, s26  }
0x4e: {  	p0 =	sgt.s32 s26, $0x2  }
.Ltmp4:
0x4f: {  	_ = 	snop;
	(pc) =	sbr.rel @p0 .LBB2_7-.Ltmp4, $1  }
0x50: {  	_ =	sdelay $0x3  }
0x51: {  	p0 =	seq.s32 s26, $0x0  }
.Ltmp5:
0x52: {  	_ = 	snop;
	(pc) =	sbr.rel @p0 .LBB2_8-.Ltmp5, $1  }
0x53: {  	_ =	sdelay $0x3  }
0x54: {  	p0 =	seq.s32 s26, $0x1  }
.Ltmp6:
0x55: {  	_ = 	snop;
	(pc) =	sbr.rel @!p0 .LBB2_10-.Ltmp6, $1  }
0x56: {  	_ =	sdelay $0x3  }
0x57: {  	p0 =	slt.u32 s25, $0x3  }
0x58: {  	_ =	swait.ge [sflag:s15], $0x4000;
	p1 =	sgt.u32 @!p0 s25, $0xC4  }
0x59: {  	[sflag:s15] =	ssyncset.done $0x0;
	p1 =	por p0, !p1  }
.Ltmp7:
0x5a: {  	s26 =	simm.s32 @!p0 $0xB;
	[sflag:s15] =	ssyncadd.s32 $0xFFFFC000;
	(pc) =	sbr.rel @!p1 .LBB2_11-.Ltmp7, $4  }
0x5b: {  	[hbm4b:s24+s3] =	stream.linear.scatter [tilespmem:s10], [sflag:$0x8], $0x4000, $0x38;
	[tilespmem:$0x1E400] =	vst v63  }
0x5c: {  	_ =	swait.ge @!p0 [sflag:s26], $0x4000  }
0x5d: {  	[sflag:s26] =	ssyncset.done @!p0 $0x0  }
0x5e: {  	[sflag:s26] =	ssyncadd.s32 @!p0 $0xFFFFC000  }
.Ltmp8:
0x5f: {  	(pc) =	sbr.rel .LBB2_11-.Ltmp8, $2  }
0x60: {  	_ =	sdelay $0x2  }
0x61: {  	[tilespmem:s16], [sflag:$0x5] =	stream.indirect.gather [hbm4b:s1+s8], $0x80, s23, s8, $0xb8;
	[tilespmem:$0x1E400] =	vst v63  }
.LBB2_8:
0x62: {  	p0 =	slt.u32 s25, $0x3  }
0x63: {  	_ =	swait.ge [sflag:s13], $0x4000;
	p1 =	sgt.u32 @!p0 s25, $0xC4  }
0x64: {  	[sflag:s13] =	ssyncset.done $0x0;
	p1 =	por p0, !p1  }
.Ltmp9:
0x65: {  	s26 =	simm.s32 @!p0 $0xA;
	[sflag:s13] =	ssyncadd.s32 $0xFFFFC000;
	(pc) =	sbr.rel @!p1 .LBB2_11-.Ltmp9, $4  }
0x66: {  	[hbm4b:s24+s3] =	stream.linear.scatter [tilespmem:s9], [sflag:$0x7], $0x4000, $0x38;
	[tilespmem:$0x1E400] =	vst v63  }
0x67: {  	_ =	swait.ge @!p0 [sflag:s26], $0x4000  }
0x68: {  	[sflag:s26] =	ssyncset.done @!p0 $0x0  }
0x69: {  	[sflag:s26] =	ssyncadd.s32 @!p0 $0xFFFFC000  }
.Ltmp10:
0x6a: {  	(pc) =	sbr.rel .LBB2_11-.Ltmp10, $2  }
0x6b: {  	_ =	sdelay $0x2  }
0x6c: {  	[tilespmem:s14], [sflag:$0x4] =	stream.indirect.gather [hbm4b:s1+s8], $0x80, s23, s8, $0xb8;
	[tilespmem:$0x1E400] =	vst v63  }
.LBB2_10:
0x6d: {  	_ =	swait.ge [sflag:s17], $0x4000  }
0x6e: {  	[sflag:s17] =	ssyncset.done $0x0  }
0x6f: {  	p0 =	slt.u32 s25, $0x3;
	[sflag:s17] =	ssyncadd.s32 $0xFFFFC000  }
0x70: {  	[hbm4b:s24+s3] =	stream.linear.scatter [tilespmem:s12], [sflag:$0x9], $0x4000, $0x38;
	[tilespmem:$0x1E400] =	vst v63  }
.Ltmp11:
0x71: {  	s26 =	simm.s32 @!p0 $0xC;
	(pc) =	sbr.rel .LBB2_11-.Ltmp11, $4  }
0x72: {  	_ =	swait.ge @!p0 [sflag:s26], $0x4000  }
0x73: {  	p1 =	sgt.u32 @!p0 s25, $0xC4;
	[sflag:s26] =	ssyncset.done @!p0 $0x0  }
0x74: {  	p1 =	por p0, !p1;
	[sflag:s26] =	ssyncadd.s32 @!p0 $0xFFFFC000  }
0x75: {  	[tilespmem:s18], [sflag:$0x6] =	stream.indirect.gather @p1 [hbm4b:s1+s8], $0x80, s23, s8, $0xb8;
	[tilespmem:$0x1E400] =	vst v63  }
.LBB2_13:
0x76: {  	_ =	sfence.sel $0x180000  }
0x77: {  	[bflag:$0x0] =	sbarrier.arrive $0xFFFF  }
0x78: {  	p0 =	sne.s32 s0, $0x0;
	_ =	strace $0x90000047  }
0x79: {  	s0 =	sadd.s32 @!p0 $0x100000, s2;
	[bflag:$0x2] =	sbarrier.arrive $0xFFFF  }
0x7a: {  	[sflag:s0] =	ssyncadd.tile.s32 @!p0 $0x1;
	_ =	shalt  }
.Lfunc_end2:
_tile_overlayer_lowered:
.L_overlay_start_2:
0x7b: {  	(tag) =	ssettag $0x2  }
0x7c: {  	s0 =	rddreg [dreg:$0x0];
	s2 =	stileid.u32  }
0x7d: {  	s1 =	rddreg [dreg:$0x1];
	p0 =	sne.s32 s2, $0x0  }
0x7e: {  	s3 =	rddreg [dreg:$0x2];
	[bflag:$0x3] =	sbarrier.arrive $0xFFFF;
	s2 =	simm.s32 @!p0 $0x1C0D  }
0x7f: {  	[timem:s3], [sflag:s2] =	dma.local @!p0 [hbm:s0], s1  }
0x80: {  	s0 =	simm.s32 @!p0 $0xD  }
0x81: {  	_ =	swait.ge @!p0 [sflag:s0], s1  }
0x82: {  	s1 =	ssub.s32 @!p0 $0x0, s1;
	[sflag:s0] =	ssyncset.done @!p0 $0x0  }
0x83: {  	[sflag:s0] =	ssyncadd.s32 @!p0 s1  }
0x84: {  	[bflag:$0x3] =	sbarrier.arrive $0xFFFF  }
0x85: {  	_ =	shalt  }

</sc_bundles>
